<compile_context>
chip_gen: v7x
topology: tpu7x:2x2x1
jax: 0.10.2.dev20260603
libtpu: 0.0.44.dev20260713+nightly
codegen_flags: <defaults>
</compile_context>

<pallas_src>
import jax
import jax.numpy as jnp
from jax import lax
from jax.experimental import pallas as pl
from jax.experimental.pallas import tpu as pltpu
from jax.experimental.pallas import tpu_sc as plsc

NC = 2
NS = 16
NW = NC * NS
L = 16

R, Q = 128, 32768
N = R * Q
E = N // NW
C = 16384
NCH = E // C
NB = 65536
SH = 15
UNROLL = 8


def _prep_body(a_ref, b_ref, m_ref, o_ref):
    bits = lax.bitcast_convert_type(a_ref[...] - b_ref[...], jnp.int32)
    bits = lax.bitwise_and(bits, jnp.int32(0x7FFFFFFF))
    o_ref[...] = jnp.where(m_ref[...], bits, jnp.int32(-1))


_prep = pl.pallas_call(
    _prep_body,
    grid=(16,),
    in_specs=[pl.BlockSpec((8, Q), lambda i: (i, 0))] * 3,
    out_specs=pl.BlockSpec((8, Q), lambda i: (i, 0)),
    out_shape=jax.ShapeDtypeStruct((R, Q), jnp.int32),
)


def _histo_body(w_hbm, out_hbm, wv0, wv1, hc, sw):
    wbufs = (wv0, wv1)
    wid = lax.axis_index("s") * NC + lax.axis_index("c")
    base = wid * E
    zeros = jnp.zeros((L,), jnp.float32)
    ones = jnp.ones((L,), jnp.float32)

    def zero_body(j, _):
        hc[pl.ds(j * L, L)] = zeros
        return _
    lax.fori_loop(0, NB // L, zero_body, None, unroll=8)

    def start(c, slot):
        off = base + c * C
        return pltpu.async_copy(w_hbm.at[pl.ds(off, C)], wbufs[slot],
                                sw.at[slot])

    pending = start(0, 0)
    for c in range(NCH):
        slot = c & 1
        nxt = start(c + 1, slot ^ 1) if c + 1 < NCH else None
        pending.wait()
        pending = nxt
        wvs = wbufs[slot]

        def inner(i, _):
            w = wvs[pl.ds(i * L, L)]
            plsc.addupdate_scatter(hc, [lax.shift_right_logical(w, SH)],
                                   ones, mask=w >= 0)
            return _
        lax.fori_loop(0, C // L, inner, None, unroll=UNROLL)

    pltpu.sync_copy(hc, out_hbm.at[wid])


_mesh = plsc.VectorSubcoreMesh(core_axis_name="c", subcore_axis_name="s",
                               num_cores=NC, num_subcores=NS)
_histo = pl.kernel(
    _histo_body,
    out_type=jax.ShapeDtypeStruct((NW, NB), jnp.float32),
    mesh=_mesh,
    scratch_types=[
        pltpu.VMEM((C,), jnp.int32),
        pltpu.VMEM((C,), jnp.int32),
        pltpu.VMEM((NB,), jnp.float32),
        pltpu.SemaphoreType.DMA((2,)),
    ],
    compiler_params=pltpu.CompilerParams(needs_layout_passes=False),
    name="ohem_histo",
)


def kernel(inputs, targets, mask):
    w = _prep(inputs, targets, mask).reshape(-1)
    h = _histo(w)

    cntf = jnp.sum(h, axis=0)
    cnt = cntf.astype(jnp.int32)
    num_selected = jnp.sum(cnt)
    k = (num_selected * 6) // 10

    cum = jnp.cumsum(cnt[::-1])[::-1]
    b = jnp.clip(jnp.sum((cum >= k).astype(jnp.int32)) - 1, 0, NB - 1)
    cump = jnp.concatenate([cum, jnp.zeros((1,), cum.dtype)])
    cnt_gt = cump[b + 1]

    j = jnp.arange(NB, dtype=jnp.int32)
    mids = lax.bitcast_convert_type((j << SH) | (1 << (SH - 1)), jnp.float32)
    sum_mid = jnp.sum(jnp.where((j > b) & (cntf > 0), cntf * mids, 0.0))
    rem = (k - cnt_gt).astype(jnp.float32)
    total = sum_mid + rem * mids[b]
    return total / k.astype(jnp.float32)

# --- scband reference (transcript-rebuilt; emitter-appended) ---
"""Pipeline reference for scband-l1-loss-64845416235451 (READ-ONLY COPY).

The authoritative reference and input builder live on the scoring server;
editing this copy changes nothing except your own understanding.
"""

import jax, jax.numpy as jnp
import numpy as np

OHEM = True
TOPK = 0.6

def setup_inputs(seed: int = 0) -> dict:
    key = jax.random.key(seed)
    k1, k2, k3 = jax.random.split(key, 3)
    inputs = jax.random.normal(k1, (128, 32768), dtype=jnp.float32)
    targets = jax.random.normal(k2, (128, 32768), dtype=jnp.float32)
    mask = jax.random.randint(k3, (128, 32768), 0, 2).astype(bool)
    return {"inputs": inputs, "targets": targets, "mask": mask}

def reference(inputs, targets, mask):
    # loss = L1(inputs[mask], targets[mask]) with reduction='none'
    loss_full = jnp.abs(inputs - targets)
    masked_loss = jnp.where(mask, loss_full, jnp.float32(-1.0)).reshape(-1)
    num_selected = jnp.sum(mask.astype(jnp.int32))
    sorted_desc, _ = jax.lax.top_k(masked_loss, masked_loss.size)
    if OHEM:
        num_hard_samples = (num_selected * int(round(TOPK * 10))) // 10
    else:
        num_hard_samples = num_selected
    keep = jnp.arange(sorted_desc.size) < num_hard_samples
    total = jnp.sum(jnp.where(keep, sorted_desc, jnp.float32(0.0)))
    return total / num_hard_samples.astype(loss_full.dtype)

if __name__ == "__main__":
    import jax
    _d = setup_inputs()
    print(jax.jit(kernel)(*tuple(_d.values())))

</pallas_src>

<mosaic_0001>
#map = affine_map<(d0, d1) -> (0)>
#map1 = affine_map<(d0, d1) -> (0, 0)>
module attributes {stable_mosaic.version = 14 : i64} {
  func.func @ohem_histo(%arg0: i32, %arg1: i32, %arg2: memref<4194304xi32, #tpu.memory_space<hbm>>, %arg3: memref<32x65536xf32, #tpu.memory_space<hbm>>, %arg4: memref<16384xi32, #tpu.memory_space<vmem>>, %arg5: memref<16384xi32, #tpu.memory_space<vmem>>, %arg6: memref<65536xf32, #tpu.memory_space<vmem>>, %arg7: memref<2x!tpu.dma_semaphore, #tpu.memory_space<semaphore_mem>>) attributes {dimension_semantics = [#tpu.dimension_semantics<core_parallel>, #tpu.dimension_semantics<subcore_parallel>], iteration_bounds = array<i64: 2, 16>, scalar_prefetch = 0 : i64, scratch_operands = 4 : i64, tpu.core_type = #tpu.core_type<sc_vector_subcore>, window_params = [{transform_indices = #map}, {transform_indices = #map1}]} {
    %mul3A = arith.constant 2 : i32
    %mul3A_0 = arith.muli %arg1, %mul3A : i32
    %add3A = arith.addi %mul3A_0, %arg0 : i32
    %mul3A_1 = arith.constant 131072 : i32
    %mul3A_2 = arith.muli %add3A, %mul3A_1 : i32
    %broadcast_in_dim3A = arith.constant 0.000000e+00 : f32
    %broadcast_in_dim3A_3 = vector.broadcast %broadcast_in_dim3A : f32 to vector<16xf32>
    %broadcast_in_dim3A_4 = arith.constant 1.000000e+00 : f32
    %broadcast_in_dim3A_5 = vector.broadcast %broadcast_in_dim3A_4 : f32 to vector<16xf32>
    %scan3A = arith.constant 0 : i32
    %scan3A_6 = arith.constant 4096 : i32
    %scan3A_7 = arith.addi %scan3A, %scan3A_6 : i32
    %scan3A_8 = arith.constant 8 : i32
    scf.for %scan3A_144 = %scan3A to %scan3A_7 step %scan3A_8  : i32 {
      %mul3A_145 = arith.constant 16 : i32
      %mul3A_146 = arith.muli %scan3A_144, %mul3A_145 : i32
      %swap3A = arith.index_cast %mul3A_146 : i32 to index
      %swap3A_147 = tpu.vector_load %arg6[%swap3A] {strides = array<i32>} : memref<65536xf32, #tpu.memory_space<vmem>>, vector<16xf32>,
      tpu.vector_store %arg6[%swap3A], %broadcast_in_dim3A_3 {strides = array<i32>} : memref<65536xf32, #tpu.memory_space<vmem>>, vector<16xf32>,
      %scan3A_148 = arith.constant 1 : i32
      %scan3A_149 = arith.addi %scan3A_144, %scan3A_148 : i32
      %mul3A_150 = arith.constant 16 : i32
      %mul3A_151 = arith.muli %scan3A_149, %mul3A_150 : i32
      %swap3A_152 = arith.index_cast %mul3A_151 : i32 to index
      %swap3A_153 = tpu.vector_load %arg6[%swap3A_152] {strides = array<i32>} : memref<65536xf32, #tpu.memory_space<vmem>>, vector<16xf32>,
      tpu.vector_store %arg6[%swap3A_152], %broadcast_in_dim3A_3 {strides = array<i32>} : memref<65536xf32, #tpu.memory_space<vmem>>, vector<16xf32>,
      %scan3A_154 = arith.constant 2 : i32
      %scan3A_155 = arith.addi %scan3A_144, %scan3A_154 : i32
      %mul3A_156 = arith.constant 16 : i32
      %mul3A_157 = arith.muli %scan3A_155, %mul3A_156 : i32
      %swap3A_158 = arith.index_cast %mul3A_157 : i32 to index
      %swap3A_159 = tpu.vector_load %arg6[%swap3A_158] {strides = array<i32>} : memref<65536xf32, #tpu.memory_space<vmem>>, vector<16xf32>,
      tpu.vector_store %arg6[%swap3A_158], %broadcast_in_dim3A_3 {strides = array<i32>} : memref<65536xf32, #tpu.memory_space<vmem>>, vector<16xf32>,
      %scan3A_160 = arith.constant 3 : i32
      %scan3A_161 = arith.addi %scan3A_144, %scan3A_160 : i32
      %mul3A_162 = arith.constant 16 : i32
      %mul3A_163 = arith.muli %scan3A_161, %mul3A_162 : i32
      %swap3A_164 = arith.index_cast %mul3A_163 : i32 to index
      %swap3A_165 = tpu.vector_load %arg6[%swap3A_164] {strides = array<i32>} : memref<65536xf32, #tpu.memory_space<vmem>>, vector<16xf32>,
      tpu.vector_store %arg6[%swap3A_164], %broadcast_in_dim3A_3 {strides = array<i32>} : memref<65536xf32, #tpu.memory_space<vmem>>, vector<16xf32>,
      %scan3A_166 = arith.constant 4 : i32
      %scan3A_167 = arith.addi %scan3A_144, %scan3A_166 : i32
      %mul3A_168 = arith.constant 16 : i32
      %mul3A_169 = arith.muli %scan3A_167, %mul3A_168 : i32
      %swap3A_170 = arith.index_cast %mul3A_169 : i32 to index
      %swap3A_171 = tpu.vector_load %arg6[%swap3A_170] {strides = array<i32>} : memref<65536xf32, #tpu.memory_space<vmem>>, vector<16xf32>,
      tpu.vector_store %arg6[%swap3A_170], %broadcast_in_dim3A_3 {strides = array<i32>} : memref<65536xf32, #tpu.memory_space<vmem>>, vector<16xf32>,
      %scan3A_172 = arith.constant 5 : i32
      %scan3A_173 = arith.addi %scan3A_144, %scan3A_172 : i32
      %mul3A_174 = arith.constant 16 : i32
      %mul3A_175 = arith.muli %scan3A_173, %mul3A_174 : i32
      %swap3A_176 = arith.index_cast %mul3A_175 : i32 to index
      %swap3A_177 = tpu.vector_load %arg6[%swap3A_176] {strides = array<i32>} : memref<65536xf32, #tpu.memory_space<vmem>>, vector<16xf32>,
      tpu.vector_store %arg6[%swap3A_176], %broadcast_in_dim3A_3 {strides = array<i32>} : memref<65536xf32, #tpu.memory_space<vmem>>, vector<16xf32>,
      %scan3A_178 = arith.constant 6 : i32
      %scan3A_179 = arith.addi %scan3A_144, %scan3A_178 : i32
      %mul3A_180 = arith.constant 16 : i32
      %mul3A_181 = arith.muli %scan3A_179, %mul3A_180 : i32
      %swap3A_182 = arith.index_cast %mul3A_181 : i32 to index
      %swap3A_183 = tpu.vector_load %arg6[%swap3A_182] {strides = array<i32>} : memref<65536xf32, #tpu.memory_space<vmem>>, vector<16xf32>,
      tpu.vector_store %arg6[%swap3A_182], %broadcast_in_dim3A_3 {strides = array<i32>} : memref<65536xf32, #tpu.memory_space<vmem>>, vector<16xf32>,
      %scan3A_184 = arith.constant 7 : i32
      %scan3A_185 = arith.addi %scan3A_144, %scan3A_184 : i32
      %mul3A_186 = arith.constant 16 : i32
      %mul3A_187 = arith.muli %scan3A_185, %mul3A_186 : i32
      %swap3A_188 = arith.index_cast %mul3A_187 : i32 to index
      %swap3A_189 = tpu.vector_load %arg6[%swap3A_188] {strides = array<i32>} : memref<65536xf32, #tpu.memory_space<vmem>>, vector<16xf32>,
      tpu.vector_store %arg6[%swap3A_188], %broadcast_in_dim3A_3 {strides = array<i32>} : memref<65536xf32, #tpu.memory_space<vmem>>, vector<16xf32>,
    }
    %scan3A_9 = arith.constant 4096 : i32
    %add3A_10 = arith.constant 0 : i32
    %add3A_11 = arith.addi %mul3A_2, %add3A_10 : i32
    %dma_start3A = arith.constant 0 : i32
    %dma_start3A_12 = tpu.memref_slice %arg2[%add3A_11] : memref<4194304xi32, #tpu.memory_space<hbm>> -> memref<16384xi32, #tpu.memory_space<hbm>>
    %dma_start3A_13 = tpu.memref_slice %arg7[%dma_start3A] : memref<2x!tpu.dma_semaphore, #tpu.memory_space<semaphore_mem>> -> memref<1x!tpu.dma_semaphore, #tpu.memory_space<semaphore_mem>>
    %dma_start3A_14 = tpu.memref_squeeze %dma_start3A_13 : memref<1x!tpu.dma_semaphore, #tpu.memory_space<semaphore_mem>> -> memref<!tpu.dma_semaphore, #tpu.memory_space<semaphore_mem>>
    %dma_start3A_15 = tpu.memref_slice %arg2[%add3A_11] : memref<4194304xi32, #tpu.memory_space<hbm>> -> memref<16384xi32, #tpu.memory_space<hbm>>
    tpu.enqueue_dma source(%dma_start3A_15 : memref<16384xi32, #tpu.memory_space<hbm>>) target(%arg4 : memref<16384xi32, #tpu.memory_space<vmem>>) target_semaphore(%dma_start3A_14 : memref<!tpu.dma_semaphore, #tpu.memory_space<semaphore_mem>>)
    %add3A_16 = arith.constant 16384 : i32
    %add3A_17 = arith.addi %mul3A_2, %add3A_16 : i32
    %dma_start3A_18 = arith.constant 1 : i32
    %dma_start3A_19 = tpu.memref_slice %arg2[%add3A_17] : memref<4194304xi32, #tpu.memory_space<hbm>> -> memref<16384xi32, #tpu.memory_space<hbm>>
    %dma_start3A_20 = tpu.memref_slice %arg7[%dma_start3A_18] : memref<2x!tpu.dma_semaphore, #tpu.memory_space<semaphore_mem>> -> memref<1x!tpu.dma_semaphore, #tpu.memory_space<semaphore_mem>>
    %dma_start3A_21 = tpu.memref_squeeze %dma_start3A_20 : memref<1x!tpu.dma_semaphore, #tpu.memory_space<semaphore_mem>> -> memref<!tpu.dma_semaphore, #tpu.memory_space<semaphore_mem>>
    %dma_start3A_22 = tpu.memref_slice %arg2[%add3A_17] : memref<4194304xi32, #tpu.memory_space<hbm>> -> memref<16384xi32, #tpu.memory_space<hbm>>
    tpu.enqueue_dma source(%dma_start3A_22 : memref<16384xi32, #tpu.memory_space<hbm>>) target(%arg5 : memref<16384xi32, #tpu.memory_space<vmem>>) target_semaphore(%dma_start3A_21 : memref<!tpu.dma_semaphore, #tpu.memory_space<semaphore_mem>>)
    %dma_wait3A = arith.constant 0 : i32
    %dma_wait3A_23 = tpu.memref_slice %arg2[%add3A_11] : memref<4194304xi32, #tpu.memory_space<hbm>> -> memref<16384xi32, #tpu.memory_space<hbm>>
    %dma_wait3A_24 = tpu.memref_slice %arg7[%dma_wait3A] : memref<2x!tpu.dma_semaphore, #tpu.memory_space<semaphore_mem>> -> memref<1x!tpu.dma_semaphore, #tpu.memory_space<semaphore_mem>>
    %dma_wait3A_25 = tpu.memref_squeeze %dma_wait3A_24 : memref<1x!tpu.dma_semaphore, #tpu.memory_space<semaphore_mem>> -> memref<!tpu.dma_semaphore, #tpu.memory_space<semaphore_mem>>
    %dma_wait3A_26 = tpu.memref_slice %arg2[%add3A_11] : memref<4194304xi32, #tpu.memory_space<hbm>> -> memref<16384xi32, #tpu.memory_space<hbm>>
    tpu.wait_dma2 semaphore(%dma_wait3A_25 : memref<!tpu.dma_semaphore, #tpu.memory_space<semaphore_mem>>) src(%dma_wait3A_26 : memref<16384xi32, #tpu.memory_space<hbm>>) dst(%arg4 : memref<16384xi32, #tpu.memory_space<vmem>>)
    %scan3A_27 = arith.constant 0 : i32
    %scan3A_28 = arith.constant 1024 : i32
    %scan3A_29 = arith.addi %scan3A_27, %scan3A_28 : i32
    %scan3A_30 = arith.constant 8 : i32
    scf.for %scan3A_144 = %scan3A_27 to %scan3A_29 step %scan3A_30  : i32 {
      %mul3A_145 = arith.constant 16 : i32
      %mul3A_146 = arith.muli %scan3A_144, %mul3A_145 : i32
      %get3A = arith.index_cast %mul3A_146 : i32 to index
      %get3A_147 = tpu.vector_load %arg4[%get3A] {strides = array<i32>} : memref<16384xi32, #tpu.memory_space<vmem>>, vector<16xi32>,
      %shift_right_logical3A = arith.constant 15 : i32
      %shift_right_logical3A_148 = vector.broadcast %shift_right_logical3A : i32 to vector<16xi32>
      %shift_right_logical3A_149 = arith.shrui %get3A_147, %shift_right_logical3A_148 : vector<16xi32>
      %ge3A = arith.constant 0 : i32
      %ge3A_150 = vector.broadcast %ge3A : i32 to vector<16xi32>
      %ge3A_151 = arith.cmpi sge, %get3A_147, %ge3A_150 : vector<16xi32>
      tpu.vector_store_idx %arg6[%shift_right_logical3A_149], %broadcast_in_dim3A_5 masked %ge3A_151 {add = true} : memref<65536xf32, #tpu.memory_space<vmem>>[vector<16xi32>], vector<16xf32>, vector<16xi1>
      %scan3A_152 = arith.constant 1 : i32
      %scan3A_153 = arith.addi %scan3A_144, %scan3A_152 : i32
      %mul3A_154 = arith.constant 16 : i32
      %mul3A_155 = arith.muli %scan3A_153, %mul3A_154 : i32
      %get3A_156 = arith.index_cast %mul3A_155 : i32 to index
      %get3A_157 = tpu.vector_load %arg4[%get3A_156] {strides = array<i32>} : memref<16384xi32, #tpu.memory_space<vmem>>, vector<16xi32>,
      %shift_right_logical3A_158 = arith.constant 15 : i32
      %shift_right_logical3A_159 = vector.broadcast %shift_right_logical3A_158 : i32 to vector<16xi32>
      %shift_right_logical3A_160 = arith.shrui %get3A_157, %shift_right_logical3A_159 : vector<16xi32>
      %ge3A_161 = arith.constant 0 : i32
      %ge3A_162 = vector.broadcast %ge3A_161 : i32 to vector<16xi32>
      %ge3A_163 = arith.cmpi sge, %get3A_157, %ge3A_162 : vector<16xi32>
      tpu.vector_store_idx %arg6[%shift_right_logical3A_160], %broadcast_in_dim3A_5 masked %ge3A_163 {add = true} : memref<65536xf32, #tpu.memory_space<vmem>>[vector<16xi32>], vector<16xf32>, vector<16xi1>
      %scan3A_164 = arith.constant 2 : i32
      %scan3A_165 = arith.addi %scan3A_144, %scan3A_164 : i32
      %mul3A_166 = arith.constant 16 : i32
      %mul3A_167 = arith.muli %scan3A_165, %mul3A_166 : i32
      %get3A_168 = arith.index_cast %mul3A_167 : i32 to index
      %get3A_169 = tpu.vector_load %arg4[%get3A_168] {strides = array<i32>} : memref<16384xi32, #tpu.memory_space<vmem>>, vector<16xi32>,
      %shift_right_logical3A_170 = arith.constant 15 : i32
      %shift_right_logical3A_171 = vector.broadcast %shift_right_logical3A_170 : i32 to vector<16xi32>
      %shift_right_logical3A_172 = arith.shrui %get3A_169, %shift_right_logical3A_171 : vector<16xi32>
      %ge3A_173 = arith.constant 0 : i32
      %ge3A_174 = vector.broadcast %ge3A_173 : i32 to vector<16xi32>
      %ge3A_175 = arith.cmpi sge, %get3A_169, %ge3A_174 : vector<16xi32>
      tpu.vector_store_idx %arg6[%shift_right_logical3A_172], %broadcast_in_dim3A_5 masked %ge3A_175 {add = true} : memref<65536xf32, #tpu.memory_space<vmem>>[vector<16xi32>], vector<16xf32>, vector<16xi1>
      %scan3A_176 = arith.constant 3 : i32
      %scan3A_177 = arith.addi %scan3A_144, %scan3A_176 : i32
      %mul3A_178 = arith.constant 16 : i32
      %mul3A_179 = arith.muli %scan3A_177, %mul3A_178 : i32
      %get3A_180 = arith.index_cast %mul3A_179 : i32 to index
      %get3A_181 = tpu.vector_load %arg4[%get3A_180] {strides = array<i32>} : memref<16384xi32, #tpu.memory_space<vmem>>, vector<16xi32>,
      %shift_right_logical3A_182 = arith.constant 15 : i32
      %shift_right_logical3A_183 = vector.broadcast %shift_right_logical3A_182 : i32 to vector<16xi32>
      %shift_right_logical3A_184 = arith.shrui %get3A_181, %shift_right_logical3A_183 : vector<16xi32>
      %ge3A_185 = arith.constant 0 : i32
      %ge3A_186 = vector.broadcast %ge3A_185 : i32 to vector<16xi32>
      %ge3A_187 = arith.cmpi sge, %get3A_181, %ge3A_186 : vector<16xi32>
      tpu.vector_store_idx %arg6[%shift_right_logical3A_184], %broadcast_in_dim3A_5 masked %ge3A_187 {add = true} : memref<65536xf32, #tpu.memory_space<vmem>>[vector<16xi32>], vector<16xf32>, vector<16xi1>
      %scan3A_188 = arith.constant 4 : i32
      %scan3A_189 = arith.addi %scan3A_144, %scan3A_188 : i32
      %mul3A_190 = arith.constant 16 : i32
      %mul3A_191 = arith.muli %scan3A_189, %mul3A_190 : i32
      %get3A_192 = arith.index_cast %mul3A_191 : i32 to index
      %get3A_193 = tpu.vector_load %arg4[%get3A_192] {strides = array<i32>} : memref<16384xi32, #tpu.memory_space<vmem>>, vector<16xi32>,
      %shift_right_logical3A_194 = arith.constant 15 : i32
      %shift_right_logical3A_195 = vector.broadcast %shift_right_logical3A_194 : i32 to vector<16xi32>
      %shift_right_logical3A_196 = arith.shrui %get3A_193, %shift_right_logical3A_195 : vector<16xi32>
      %ge3A_197 = arith.constant 0 : i32
      %ge3A_198 = vector.broadcast %ge3A_197 : i32 to vector<16xi32>
      %ge3A_199 = arith.cmpi sge, %get3A_193, %ge3A_198 : vector<16xi32>
      tpu.vector_store_idx %arg6[%shift_right_logical3A_196], %broadcast_in_dim3A_5 masked %ge3A_199 {add = true} : memref<65536xf32, #tpu.memory_space<vmem>>[vector<16xi32>], vector<16xf32>, vector<16xi1>
      %scan3A_200 = arith.constant 5 : i32
      %scan3A_201 = arith.addi %scan3A_144, %scan3A_200 : i32
      %mul3A_202 = arith.constant 16 : i32
      %mul3A_203 = arith.muli %scan3A_201, %mul3A_202 : i32
      %get3A_204 = arith.index_cast %mul3A_203 : i32 to index
      %get3A_205 = tpu.vector_load %arg4[%get3A_204] {strides = array<i32>} : memref<16384xi32, #tpu.memory_space<vmem>>, vector<16xi32>,
      %shift_right_logical3A_206 = arith.constant 15 : i32
      %shift_right_logical3A_207 = vector.broadcast %shift_right_logical3A_206 : i32 to vector<16xi32>
      %shift_right_logical3A_208 = arith.shrui %get3A_205, %shift_right_logical3A_207 : vector<16xi32>
      %ge3A_209 = arith.constant 0 : i32
      %ge3A_210 = vector.broadcast %ge3A_209 : i32 to vector<16xi32>
      %ge3A_211 = arith.cmpi sge, %get3A_205, %ge3A_210 : vector<16xi32>
      tpu.vector_store_idx %arg6[%shift_right_logical3A_208], %broadcast_in_dim3A_5 masked %ge3A_211 {add = true} : memref<65536xf32, #tpu.memory_space<vmem>>[vector<16xi32>], vector<16xf32>, vector<16xi1>
      %scan3A_212 = arith.constant 6 : i32
      %scan3A_213 = arith.addi %scan3A_144, %scan3A_212 : i32
      %mul3A_214 = arith.constant 16 : i32
      %mul3A_215 = arith.muli %scan3A_213, %mul3A_214 : i32
      %get3A_216 = arith.index_cast %mul3A_215 : i32 to index
      %get3A_217 = tpu.vector_load %arg4[%get3A_216] {strides = array<i32>} : memref<16384xi32, #tpu.memory_space<vmem>>, vector<16xi32>,
      %shift_right_logical3A_218 = arith.constant 15 : i32
      %shift_right_logical3A_219 = vector.broadcast %shift_right_logical3A_218 : i32 to vector<16xi32>
      %shift_right_logical3A_220 = arith.shrui %get3A_217, %shift_right_logical3A_219 : vector<16xi32>
      %ge3A_221 = arith.constant 0 : i32
      %ge3A_222 = vector.broadcast %ge3A_221 : i32 to vector<16xi32>
      %ge3A_223 = arith.cmpi sge, %get3A_217, %ge3A_222 : vector<16xi32>
      tpu.vector_store_idx %arg6[%shift_right_logical3A_220], %broadcast_in_dim3A_5 masked %ge3A_223 {add = true} : memref<65536xf32, #tpu.memory_space<vmem>>[vector<16xi32>], vector<16xf32>, vector<16xi1>
      %scan3A_224 = arith.constant 7 : i32
      %scan3A_225 = arith.addi %scan3A_144, %scan3A_224 : i32
      %mul3A_226 = arith.constant 16 : i32
      %mul3A_227 = arith.muli %scan3A_225, %mul3A_226 : i32
      %get3A_228 = arith.index_cast %mul3A_227 : i32 to index
      %get3A_229 = tpu.vector_load %arg4[%get3A_228] {strides = array<i32>} : memref<16384xi32, #tpu.memory_space<vmem>>, vector<16xi32>,
      %shift_right_logical3A_230 = arith.constant 15 : i32
      %shift_right_logical3A_231 = vector.broadcast %shift_right_logical3A_230 : i32 to vector<16xi32>
      %shift_right_logical3A_232 = arith.shrui %get3A_229, %shift_right_logical3A_231 : vector<16xi32>
      %ge3A_233 = arith.constant 0 : i32
      %ge3A_234 = vector.broadcast %ge3A_233 : i32 to vector<16xi32>
      %ge3A_235 = arith.cmpi sge, %get3A_229, %ge3A_234 : vector<16xi32>
      tpu.vector_store_idx %arg6[%shift_right_logical3A_232], %broadcast_in_dim3A_5 masked %ge3A_235 {add = true} : memref<65536xf32, #tpu.memory_space<vmem>>[vector<16xi32>], vector<16xf32>, vector<16xi1>
    }
    %scan3A_31 = arith.constant 1024 : i32
    %add3A_32 = arith.constant 32768 : i32
    %add3A_33 = arith.addi %mul3A_2, %add3A_32 : i32
    %dma_start3A_34 = arith.constant 0 : i32
    %dma_start3A_35 = tpu.memref_slice %arg2[%add3A_33] : memref<4194304xi32, #tpu.memory_space<hbm>> -> memref<16384xi32, #tpu.memory_space<hbm>>
    %dma_start3A_36 = tpu.memref_slice %arg7[%dma_start3A_34] : memref<2x!tpu.dma_semaphore, #tpu.memory_space<semaphore_mem>> -> memref<1x!tpu.dma_semaphore, #tpu.memory_space<semaphore_mem>>
    %dma_start3A_37 = tpu.memref_squeeze %dma_start3A_36 : memref<1x!tpu.dma_semaphore, #tpu.memory_space<semaphore_mem>> -> memref<!tpu.dma_semaphore, #tpu.memory_space<semaphore_mem>>
    %dma_start3A_38 = tpu.memref_slice %arg2[%add3A_33] : memref<4194304xi32, #tpu.memory_space<hbm>> -> memref<16384xi32, #tpu.memory_space<hbm>>
    tpu.enqueue_dma source(%dma_start3A_38 : memref<16384xi32, #tpu.memory_space<hbm>>) target(%arg4 : memref<16384xi32, #tpu.memory_space<vmem>>) target_semaphore(%dma_start3A_37 : memref<!tpu.dma_semaphore, #tpu.memory_space<semaphore_mem>>)
    %dma_wait3A_39 = arith.constant 1 : i32
    %dma_wait3A_40 = tpu.memref_slice %arg2[%add3A_17] : memref<4194304xi32, #tpu.memory_space<hbm>> -> memref<16384xi32, #tpu.memory_space<hbm>>
    %dma_wait3A_41 = tpu.memref_slice %arg7[%dma_wait3A_39] : memref<2x!tpu.dma_semaphore, #tpu.memory_space<semaphore_mem>> -> memref<1x!tpu.dma_semaphore, #tpu.memory_space<semaphore_mem>>
    %dma_wait3A_42 = tpu.memref_squeeze %dma_wait3A_41 : memref<1x!tpu.dma_semaphore, #tpu.memory_space<semaphore_mem>> -> memref<!tpu.dma_semaphore, #tpu.memory_space<semaphore_mem>>
    %dma_wait3A_43 = tpu.memref_slice %arg2[%add3A_17] : memref<4194304xi32, #tpu.memory_space<hbm>> -> memref<16384xi32, #tpu.memory_space<hbm>>
    tpu.wait_dma2 semaphore(%dma_wait3A_42 : memref<!tpu.dma_semaphore, #tpu.memory_space<semaphore_mem>>) src(%dma_wait3A_43 : memref<16384xi32, #tpu.memory_space<hbm>>) dst(%arg5 : memref<16384xi32, #tpu.memory_space<vmem>>)
    %scan3A_44 = arith.constant 0 : i32
    %scan3A_45 = arith.constant 1024 : i32
    %scan3A_46 = arith.addi %scan3A_44, %scan3A_45 : i32
    %scan3A_47 = arith.constant 8 : i32
    scf.for %scan3A_144 = %scan3A_44 to %scan3A_46 step %scan3A_47  : i32 {
      %mul3A_145 = arith.constant 16 : i32
      %mul3A_146 = arith.muli %scan3A_144, %mul3A_145 : i32
      %get3A = arith.index_cast %mul3A_146 : i32 to index
      %get3A_147 = tpu.vector_load %arg5[%get3A] {strides = array<i32>} : memref<16384xi32, #tpu.memory_space<vmem>>, vector<16xi32>,
      %shift_right_logical3A = arith.constant 15 : i32
      %shift_right_logical3A_148 = vector.broadcast %shift_right_logical3A : i32 to vector<16xi32>
      %shift_right_logical3A_149 = arith.shrui %get3A_147, %shift_right_logical3A_148 : vector<16xi32>
      %ge3A = arith.constant 0 : i32
      %ge3A_150 = vector.broadcast %ge3A : i32 to vector<16xi32>
      %ge3A_151 = arith.cmpi sge, %get3A_147, %ge3A_150 : vector<16xi32>
      tpu.vector_store_idx %arg6[%shift_right_logical3A_149], %broadcast_in_dim3A_5 masked %ge3A_151 {add = true} : memref<65536xf32, #tpu.memory_space<vmem>>[vector<16xi32>], vector<16xf32>, vector<16xi1>
      %scan3A_152 = arith.constant 1 : i32
      %scan3A_153 = arith.addi %scan3A_144, %scan3A_152 : i32
      %mul3A_154 = arith.constant 16 : i32
      %mul3A_155 = arith.muli %scan3A_153, %mul3A_154 : i32
      %get3A_156 = arith.index_cast %mul3A_155 : i32 to index
      %get3A_157 = tpu.vector_load %arg5[%get3A_156] {strides = array<i32>} : memref<16384xi32, #tpu.memory_space<vmem>>, vector<16xi32>,
      %shift_right_logical3A_158 = arith.constant 15 : i32
      %shift_right_logical3A_159 = vector.broadcast %shift_right_logical3A_158 : i32 to vector<16xi32>
      %shift_right_logical3A_160 = arith.shrui %get3A_157, %shift_right_logical3A_159 : vector<16xi32>
      %ge3A_161 = arith.constant 0 : i32
      %ge3A_162 = vector.broadcast %ge3A_161 : i32 to vector<16xi32>
      %ge3A_163 = arith.cmpi sge, %get3A_157, %ge3A_162 : vector<16xi32>
      tpu.vector_store_idx %arg6[%shift_right_logical3A_160], %broadcast_in_dim3A_5 masked %ge3A_163 {add = true} : memref<65536xf32, #tpu.memory_space<vmem>>[vector<16xi32>], vector<16xf32>, vector<16xi1>
      %scan3A_164 = arith.constant 2 : i32
      %scan3A_165 = arith.addi %scan3A_144, %scan3A_164 : i32
      %mul3A_166 = arith.constant 16 : i32
      %mul3A_167 = arith.muli %scan3A_165, %mul3A_166 : i32
      %get3A_168 = arith.index_cast %mul3A_167 : i32 to index
      %get3A_169 = tpu.vector_load %arg5[%get3A_168] {strides = array<i32>} : memref<16384xi32, #tpu.memory_space<vmem>>, vector<16xi32>,
      %shift_right_logical3A_170 = arith.constant 15 : i32
      %shift_right_logical3A_171 = vector.broadcast %shift_right_logical3A_170 : i32 to vector<16xi32>
      %shift_right_logical3A_172 = arith.shrui %get3A_169, %shift_right_logical3A_171 : vector<16xi32>
      %ge3A_173 = arith.constant 0 : i32
      %ge3A_174 = vector.broadcast %ge3A_173 : i32 to vector<16xi32>
      %ge3A_175 = arith.cmpi sge, %get3A_169, %ge3A_174 : vector<16xi32>
      tpu.vector_store_idx %arg6[%shift_right_logical3A_172], %broadcast_in_dim3A_5 masked %ge3A_175 {add = true} : memref<65536xf32, #tpu.memory_space<vmem>>[vector<16xi32>], vector<16xf32>, vector<16xi1>
      %scan3A_176 = arith.constant 3 : i32
      %scan3A_177 = arith.addi %scan3A_144, %scan3A_176 : i32
      %mul3A_178 = arith.constant 16 : i32
      %mul3A_179 = arith.muli %scan3A_177, %mul3A_178 : i32
      %get3A_180 = arith.index_cast %mul3A_179 : i32 to index
      %get3A_181 = tpu.vector_load %arg5[%get3A_180] {strides = array<i32>} : memref<16384xi32, #tpu.memory_space<vmem>>, vector<16xi32>,
      %shift_right_logical3A_182 = arith.constant 15 : i32
      %shift_right_logical3A_183 = vector.broadcast %shift_right_logical3A_182 : i32 to vector<16xi32>
      %shift_right_logical3A_184 = arith.shrui %get3A_181, %shift_right_logical3A_183 : vector<16xi32>
      %ge3A_185 = arith.constant 0 : i32
      %ge3A_186 = vector.broadcast %ge3A_185 : i32 to vector<16xi32>
      %ge3A_187 = arith.cmpi sge, %get3A_181, %ge3A_186 : vector<16xi32>
      tpu.vector_store_idx %arg6[%shift_right_logical3A_184], %broadcast_in_dim3A_5 masked %ge3A_187 {add = true} : memref<65536xf32, #tpu.memory_space<vmem>>[vector<16xi32>], vector<16xf32>, vector<16xi1>
      %scan3A_188 = arith.constant 4 : i32
      %scan3A_189 = arith.addi %scan3A_144, %scan3A_188 : i32
      %mul3A_190 = arith.constant 16 : i32
      %mul3A_191 = arith.muli %scan3A_189, %mul3A_190 : i32
      %get3A_192 = arith.index_cast %mul3A_191 : i32 to index
      %get3A_193 = tpu.vector_load %arg5[%get3A_192] {strides = array<i32>} : memref<16384xi32, #tpu.memory_space<vmem>>, vector<16xi32>,
      %shift_right_logical3A_194 = arith.constant 15 : i32
      %shift_right_logical3A_195 = vector.broadcast %shift_right_logical3A_194 : i32 to vector<16xi32>
      %shift_right_logical3A_196 = arith.shrui %get3A_193, %shift_right_logical3A_195 : vector<16xi32>
      %ge3A_197 = arith.constant 0 : i32
      %ge3A_198 = vector.broadcast %ge3A_197 : i32 to vector<16xi32>
      %ge3A_199 = arith.cmpi sge, %get3A_193, %ge3A_198 : vector<16xi32>
      tpu.vector_store_idx %arg6[%shift_right_logical3A_196], %broadcast_in_dim3A_5 masked %ge3A_199 {add = true} : memref<65536xf32, #tpu.memory_space<vmem>>[vector<16xi32>], vector<16xf32>, vector<16xi1>
      %scan3A_200 = arith.constant 5 : i32
      %scan3A_201 = arith.addi %scan3A_144, %scan3A_200 : i32
      %mul3A_202 = arith.constant 16 : i32
      %mul3A_203 = arith.muli %scan3A_201, %mul3A_202 : i32
      %get3A_204 = arith.index_cast %mul3A_203 : i32 to index
      %get3A_205 = tpu.vector_load %arg5[%get3A_204] {strides = array<i32>} : memref<16384xi32, #tpu.memory_space<vmem>>, vector<16xi32>,
      %shift_right_logical3A_206 = arith.constant 15 : i32
      %shift_right_logical3A_207 = vector.broadcast %shift_right_logical3A_206 : i32 to vector<16xi32>
      %shift_right_logical3A_208 = arith.shrui %get3A_205, %shift_right_logical3A_207 : vector<16xi32>
      %ge3A_209 = arith.constant 0 : i32
      %ge3A_210 = vector.broadcast %ge3A_209 : i32 to vector<16xi32>
      %ge3A_211 = arith.cmpi sge, %get3A_205, %ge3A_210 : vector<16xi32>
      tpu.vector_store_idx %arg6[%shift_right_logical3A_208], %broadcast_in_dim3A_5 masked %ge3A_211 {add = true} : memref<65536xf32, #tpu.memory_space<vmem>>[vector<16xi32>], vector<16xf32>, vector<16xi1>
      %scan3A_212 = arith.constant 6 : i32
      %scan3A_213 = arith.addi %scan3A_144, %scan3A_212 : i32
      %mul3A_214 = arith.constant 16 : i32
      %mul3A_215 = arith.muli %scan3A_213, %mul3A_214 : i32
      %get3A_216 = arith.index_cast %mul3A_215 : i32 to index
      %get3A_217 = tpu.vector_load %arg5[%get3A_216] {strides = array<i32>} : memref<16384xi32, #tpu.memory_space<vmem>>, vector<16xi32>,
      %shift_right_logical3A_218 = arith.constant 15 : i32
      %shift_right_logical3A_219 = vector.broadcast %shift_right_logical3A_218 : i32 to vector<16xi32>
      %shift_right_logical3A_220 = arith.shrui %get3A_217, %shift_right_logical3A_219 : vector<16xi32>
      %ge3A_221 = arith.constant 0 : i32
      %ge3A_222 = vector.broadcast %ge3A_221 : i32 to vector<16xi32>
      %ge3A_223 = arith.cmpi sge, %get3A_217, %ge3A_222 : vector<16xi32>
      tpu.vector_store_idx %arg6[%shift_right_logical3A_220], %broadcast_in_dim3A_5 masked %ge3A_223 {add = true} : memref<65536xf32, #tpu.memory_space<vmem>>[vector<16xi32>], vector<16xf32>, vector<16xi1>
      %scan3A_224 = arith.constant 7 : i32
      %scan3A_225 = arith.addi %scan3A_144, %scan3A_224 : i32
      %mul3A_226 = arith.constant 16 : i32
      %mul3A_227 = arith.muli %scan3A_225, %mul3A_226 : i32
      %get3A_228 = arith.index_cast %mul3A_227 : i32 to index
      %get3A_229 = tpu.vector_load %arg5[%get3A_228] {strides = array<i32>} : memref<16384xi32, #tpu.memory_space<vmem>>, vector<16xi32>,
      %shift_right_logical3A_230 = arith.constant 15 : i32
      %shift_right_logical3A_231 = vector.broadcast %shift_right_logical3A_230 : i32 to vector<16xi32>
      %shift_right_logical3A_232 = arith.shrui %get3A_229, %shift_right_logical3A_231 : vector<16xi32>
      %ge3A_233 = arith.constant 0 : i32
      %ge3A_234 = vector.broadcast %ge3A_233 : i32 to vector<16xi32>
      %ge3A_235 = arith.cmpi sge, %get3A_229, %ge3A_234 : vector<16xi32>
      tpu.vector_store_idx %arg6[%shift_right_logical3A_232], %broadcast_in_dim3A_5 masked %ge3A_235 {add = true} : memref<65536xf32, #tpu.memory_space<vmem>>[vector<16xi32>], vector<16xf32>, vector<16xi1>
    }
    %scan3A_48 = arith.constant 1024 : i32
    %add3A_49 = arith.constant 49152 : i32
    %add3A_50 = arith.addi %mul3A_2, %add3A_49 : i32
    %dma_start3A_51 = arith.constant 1 : i32
    %dma_start3A_52 = tpu.memref_slice %arg2[%add3A_50] : memref<4194304xi32, #tpu.memory_space<hbm>> -> memref<16384xi32, #tpu.memory_space<hbm>>
    %dma_start3A_53 = tpu.memref_slice %arg7[%dma_start3A_51] : memref<2x!tpu.dma_semaphore, #tpu.memory_space<semaphore_mem>> -> memref<1x!tpu.dma_semaphore, #tpu.memory_space<semaphore_mem>>
    %dma_start3A_54 = tpu.memref_squeeze %dma_start3A_53 : memref<1x!tpu.dma_semaphore, #tpu.memory_space<semaphore_mem>> -> memref<!tpu.dma_semaphore, #tpu.memory_space<semaphore_mem>>
    %dma_start3A_55 = tpu.memref_slice %arg2[%add3A_50] : memref<4194304xi32, #tpu.memory_space<hbm>> -> memref<16384xi32, #tpu.memory_space<hbm>>
    tpu.enqueue_dma source(%dma_start3A_55 : memref<16384xi32, #tpu.memory_space<hbm>>) target(%arg5 : memref<16384xi32, #tpu.memory_space<vmem>>) target_semaphore(%dma_start3A_54 : memref<!tpu.dma_semaphore, #tpu.memory_space<semaphore_mem>>)
    %dma_wait3A_56 = arith.constant 0 : i32
    %dma_wait3A_57 = tpu.memref_slice %arg2[%add3A_33] : memref<4194304xi32, #tpu.memory_space<hbm>> -> memref<16384xi32, #tpu.memory_space<hbm>>
    %dma_wait3A_58 = tpu.memref_slice %arg7[%dma_wait3A_56] : memref<2x!tpu.dma_semaphore, #tpu.memory_space<semaphore_mem>> -> memref<1x!tpu.dma_semaphore, #tpu.memory_space<semaphore_mem>>
    %dma_wait3A_59 = tpu.memref_squeeze %dma_wait3A_58 : memref<1x!tpu.dma_semaphore, #tpu.memory_space<semaphore_mem>> -> memref<!tpu.dma_semaphore, #tpu.memory_space<semaphore_mem>>
    %dma_wait3A_60 = tpu.memref_slice %arg2[%add3A_33] : memref<4194304xi32, #tpu.memory_space<hbm>> -> memref<16384xi32, #tpu.memory_space<hbm>>
    tpu.wait_dma2 semaphore(%dma_wait3A_59 : memref<!tpu.dma_semaphore, #tpu.memory_space<semaphore_mem>>) src(%dma_wait3A_60 : memref<16384xi32, #tpu.memory_space<hbm>>) dst(%arg4 : memref<16384xi32, #tpu.memory_space<vmem>>)
    %scan3A_61 = arith.constant 0 : i32
    %scan3A_62 = arith.constant 1024 : i32
    %scan3A_63 = arith.addi %scan3A_61, %scan3A_62 : i32
    %scan3A_64 = arith.constant 8 : i32
    scf.for %scan3A_144 = %scan3A_61 to %scan3A_63 step %scan3A_64  : i32 {
      %mul3A_145 = arith.constant 16 : i32
      %mul3A_146 = arith.muli %scan3A_144, %mul3A_145 : i32
      %get3A = arith.index_cast %mul3A_146 : i32 to index
      %get3A_147 = tpu.vector_load %arg4[%get3A] {strides = array<i32>} : memref<16384xi32, #tpu.memory_space<vmem>>, vector<16xi32>,
      %shift_right_logical3A = arith.constant 15 : i32
      %shift_right_logical3A_148 = vector.broadcast %shift_right_logical3A : i32 to vector<16xi32>
      %shift_right_logical3A_149 = arith.shrui %get3A_147, %shift_right_logical3A_148 : vector<16xi32>
      %ge3A = arith.constant 0 : i32
      %ge3A_150 = vector.broadcast %ge3A : i32 to vector<16xi32>
      %ge3A_151 = arith.cmpi sge, %get3A_147, %ge3A_150 : vector<16xi32>
      tpu.vector_store_idx %arg6[%shift_right_logical3A_149], %broadcast_in_dim3A_5 masked %ge3A_151 {add = true} : memref<65536xf32, #tpu.memory_space<vmem>>[vector<16xi32>], vector<16xf32>, vector<16xi1>
      %scan3A_152 = arith.constant 1 : i32
      %scan3A_153 = arith.addi %scan3A_144, %scan3A_152 : i32
      %mul3A_154 = arith.constant 16 : i32
      %mul3A_155 = arith.muli %scan3A_153, %mul3A_154 : i32
      %get3A_156 = arith.index_cast %mul3A_155 : i32 to index
      %get3A_157 = tpu.vector_load %arg4[%get3A_156] {strides = array<i32>} : memref<16384xi32, #tpu.memory_space<vmem>>, vector<16xi32>,
      %shift_right_logical3A_158 = arith.constant 15 : i32
      %shift_right_logical3A_159 = vector.broadcast %shift_right_logical3A_158 : i32 to vector<16xi32>
      %shift_right_logical3A_160 = arith.shrui %get3A_157, %shift_right_logical3A_159 : vector<16xi32>
      %ge3A_161 = arith.constant 0 : i32
      %ge3A_162 = vector.broadcast %ge3A_161 : i32 to vector<16xi32>
      %ge3A_163 = arith.cmpi sge, %get3A_157, %ge3A_162 : vector<16xi32>
      tpu.vector_store_idx %arg6[%shift_right_logical3A_160], %broadcast_in_dim3A_5 masked %ge3A_163 {add = true} : memref<65536xf32, #tpu.memory_space<vmem>>[vector<16xi32>], vector<16xf32>, vector<16xi1>
      %scan3A_164 = arith.constant 2 : i32
      %scan3A_165 = arith.addi %scan3A_144, %scan3A_164 : i32
      %mul3A_166 = arith.constant 16 : i32
      %mul3A_167 = arith.muli %scan3A_165, %mul3A_166 : i32
      %get3A_168 = arith.index_cast %mul3A_167 : i32 to index
      %get3A_169 = tpu.vector_load %arg4[%get3A_168] {strides = array<i32>} : memref<16384xi32, #tpu.memory_space<vmem>>, vector<16xi32>,
      %shift_right_logical3A_170 = arith.constant 15 : i32
      %shift_right_logical3A_171 = vector.broadcast %shift_right_logical3A_170 : i32 to vector<16xi32>
      %shift_right_logical3A_172 = arith.shrui %get3A_169, %shift_right_logical3A_171 : vector<16xi32>
      %ge3A_173 = arith.constant 0 : i32
      %ge3A_174 = vector.broadcast %ge3A_173 : i32 to vector<16xi32>
      %ge3A_175 = arith.cmpi sge, %get3A_169, %ge3A_174 : vector<16xi32>
      tpu.vector_store_idx %arg6[%shift_right_logical3A_172], %broadcast_in_dim3A_5 masked %ge3A_175 {add = true} : memref<65536xf32, #tpu.memory_space<vmem>>[vector<16xi32>], vector<16xf32>, vector<16xi1>
      %scan3A_176 = arith.constant 3 : i32
      %scan3A_177 = arith.addi %scan3A_144, %scan3A_176 : i32
      %mul3A_178 = arith.constant 16 : i32
      %mul3A_179 = arith.muli %scan3A_177, %mul3A_178 : i32
      %get3A_180 = arith.index_cast %mul3A_179 : i32 to index
      %get3A_181 = tpu.vector_load %arg4[%get3A_180] {strides = array<i32>} : memref<16384xi32, #tpu.memory_space<vmem>>, vector<16xi32>,
      %shift_right_logical3A_182 = arith.constant 15 : i32
      %shift_right_logical3A_183 = vector.broadcast %shift_right_logical3A_182 : i32 to vector<16xi32>
      %shift_right_logical3A_184 = arith.shrui %get3A_181, %shift_right_logical3A_183 : vector<16xi32>
      %ge3A_185 = arith.constant 0 : i32
      %ge3A_186 = vector.broadcast %ge3A_185 : i32 to vector<16xi32>
      %ge3A_187 = arith.cmpi sge, %get3A_181, %ge3A_186 : vector<16xi32>
      tpu.vector_store_idx %arg6[%shift_right_logical3A_184], %broadcast_in_dim3A_5 masked %ge3A_187 {add = true} : memref<65536xf32, #tpu.memory_space<vmem>>[vector<16xi32>], vector<16xf32>, vector<16xi1>
      %scan3A_188 = arith.constant 4 : i32
      %scan3A_189 = arith.addi %scan3A_144, %scan3A_188 : i32
      %mul3A_190 = arith.constant 16 : i32
      %mul3A_191 = arith.muli %scan3A_189, %mul3A_190 : i32
      %get3A_192 = arith.index_cast %mul3A_191 : i32 to index
      %get3A_193 = tpu.vector_load %arg4[%get3A_192] {strides = array<i32>} : memref<16384xi32, #tpu.memory_space<vmem>>, vector<16xi32>,
      %shift_right_logical3A_194 = arith.constant 15 : i32
      %shift_right_logical3A_195 = vector.broadcast %shift_right_logical3A_194 : i32 to vector<16xi32>
      %shift_right_logical3A_196 = arith.shrui %get3A_193, %shift_right_logical3A_195 : vector<16xi32>
      %ge3A_197 = arith.constant 0 : i32
      %ge3A_198 = vector.broadcast %ge3A_197 : i32 to vector<16xi32>
      %ge3A_199 = arith.cmpi sge, %get3A_193, %ge3A_198 : vector<16xi32>
      tpu.vector_store_idx %arg6[%shift_right_logical3A_196], %broadcast_in_dim3A_5 masked %ge3A_199 {add = true} : memref<65536xf32, #tpu.memory_space<vmem>>[vector<16xi32>], vector<16xf32>, vector<16xi1>
      %scan3A_200 = arith.constant 5 : i32
      %scan3A_201 = arith.addi %scan3A_144, %scan3A_200 : i32
      %mul3A_202 = arith.constant 16 : i32
      %mul3A_203 = arith.muli %scan3A_201, %mul3A_202 : i32
      %get3A_204 = arith.index_cast %mul3A_203 : i32 to index
      %get3A_205 = tpu.vector_load %arg4[%get3A_204] {strides = array<i32>} : memref<16384xi32, #tpu.memory_space<vmem>>, vector<16xi32>,
      %shift_right_logical3A_206 = arith.constant 15 : i32
      %shift_right_logical3A_207 = vector.broadcast %shift_right_logical3A_206 : i32 to vector<16xi32>
      %shift_right_logical3A_208 = arith.shrui %get3A_205, %shift_right_logical3A_207 : vector<16xi32>
      %ge3A_209 = arith.constant 0 : i32
      %ge3A_210 = vector.broadcast %ge3A_209 : i32 to vector<16xi32>
      %ge3A_211 = arith.cmpi sge, %get3A_205, %ge3A_210 : vector<16xi32>
      tpu.vector_store_idx %arg6[%shift_right_logical3A_208], %broadcast_in_dim3A_5 masked %ge3A_211 {add = true} : memref<65536xf32, #tpu.memory_space<vmem>>[vector<16xi32>], vector<16xf32>, vector<16xi1>
      %scan3A_212 = arith.constant 6 : i32
      %scan3A_213 = arith.addi %scan3A_144, %scan3A_212 : i32
      %mul3A_214 = arith.constant 16 : i32
      %mul3A_215 = arith.muli %scan3A_213, %mul3A_214 : i32
      %get3A_216 = arith.index_cast %mul3A_215 : i32 to index
      %get3A_217 = tpu.vector_load %arg4[%get3A_216] {strides = array<i32>} : memref<16384xi32, #tpu.memory_space<vmem>>, vector<16xi32>,
      %shift_right_logical3A_218 = arith.constant 15 : i32
      %shift_right_logical3A_219 = vector.broadcast %shift_right_logical3A_218 : i32 to vector<16xi32>
      %shift_right_logical3A_220 = arith.shrui %get3A_217, %shift_right_logical3A_219 : vector<16xi32>
      %ge3A_221 = arith.constant 0 : i32
      %ge3A_222 = vector.broadcast %ge3A_221 : i32 to vector<16xi32>
      %ge3A_223 = arith.cmpi sge, %get3A_217, %ge3A_222 : vector<16xi32>
      tpu.vector_store_idx %arg6[%shift_right_logical3A_220], %broadcast_in_dim3A_5 masked %ge3A_223 {add = true} : memref<65536xf32, #tpu.memory_space<vmem>>[vector<16xi32>], vector<16xf32>, vector<16xi1>
      %scan3A_224 = arith.constant 7 : i32
      %scan3A_225 = arith.addi %scan3A_144, %scan3A_224 : i32
      %mul3A_226 = arith.constant 16 : i32
      %mul3A_227 = arith.muli %scan3A_225, %mul3A_226 : i32
      %get3A_228 = arith.index_cast %mul3A_227 : i32 to index
      %get3A_229 = tpu.vector_load %arg4[%get3A_228] {strides = array<i32>} : memref<16384xi32, #tpu.memory_space<vmem>>, vector<16xi32>,
      %shift_right_logical3A_230 = arith.constant 15 : i32
      %shift_right_logical3A_231 = vector.broadcast %shift_right_logical3A_230 : i32 to vector<16xi32>
      %shift_right_logical3A_232 = arith.shrui %get3A_229, %shift_right_logical3A_231 : vector<16xi32>
      %ge3A_233 = arith.constant 0 : i32
      %ge3A_234 = vector.broadcast %ge3A_233 : i32 to vector<16xi32>
      %ge3A_235 = arith.cmpi sge, %get3A_229, %ge3A_234 : vector<16xi32>
      tpu.vector_store_idx %arg6[%shift_right_logical3A_232], %broadcast_in_dim3A_5 masked %ge3A_235 {add = true} : memref<65536xf32, #tpu.memory_space<vmem>>[vector<16xi32>], vector<16xf32>, vector<16xi1>
    }
    %scan3A_65 = arith.constant 1024 : i32
    %add3A_66 = arith.constant 65536 : i32
    %add3A_67 = arith.addi %mul3A_2, %add3A_66 : i32
    %dma_start3A_68 = arith.constant 0 : i32
    %dma_start3A_69 = tpu.memref_slice %arg2[%add3A_67] : memref<4194304xi32, #tpu.memory_space<hbm>> -> memref<16384xi32, #tpu.memory_space<hbm>>
    %dma_start3A_70 = tpu.memref_slice %arg7[%dma_start3A_68] : memref<2x!tpu.dma_semaphore, #tpu.memory_space<semaphore_mem>> -> memref<1x!tpu.dma_semaphore, #tpu.memory_space<semaphore_mem>>
    %dma_start3A_71 = tpu.memref_squeeze %dma_start3A_70 : memref<1x!tpu.dma_semaphore, #tpu.memory_space<semaphore_mem>> -> memref<!tpu.dma_semaphore, #tpu.memory_space<semaphore_mem>>
    %dma_start3A_72 = tpu.memref_slice %arg2[%add3A_67] : memref<4194304xi32, #tpu.memory_space<hbm>> -> memref<16384xi32, #tpu.memory_space<hbm>>
    tpu.enqueue_dma source(%dma_start3A_72 : memref<16384xi32, #tpu.memory_space<hbm>>) target(%arg4 : memref<16384xi32, #tpu.memory_space<vmem>>) target_semaphore(%dma_start3A_71 : memref<!tpu.dma_semaphore, #tpu.memory_space<semaphore_mem>>)
    %dma_wait3A_73 = arith.constant 1 : i32
    %dma_wait3A_74 = tpu.memref_slice %arg2[%add3A_50] : memref<4194304xi32, #tpu.memory_space<hbm>> -> memref<16384xi32, #tpu.memory_space<hbm>>
    %dma_wait3A_75 = tpu.memref_slice %arg7[%dma_wait3A_73] : memref<2x!tpu.dma_semaphore, #tpu.memory_space<semaphore_mem>> -> memref<1x!tpu.dma_semaphore, #tpu.memory_space<semaphore_mem>>
    %dma_wait3A_76 = tpu.memref_squeeze %dma_wait3A_75 : memref<1x!tpu.dma_semaphore, #tpu.memory_space<semaphore_mem>> -> memref<!tpu.dma_semaphore, #tpu.memory_space<semaphore_mem>>
    %dma_wait3A_77 = tpu.memref_slice %arg2[%add3A_50] : memref<4194304xi32, #tpu.memory_space<hbm>> -> memref<16384xi32, #tpu.memory_space<hbm>>
    tpu.wait_dma2 semaphore(%dma_wait3A_76 : memref<!tpu.dma_semaphore, #tpu.memory_space<semaphore_mem>>) src(%dma_wait3A_77 : memref<16384xi32, #tpu.memory_space<hbm>>) dst(%arg5 : memref<16384xi32, #tpu.memory_space<vmem>>)
    %scan3A_78 = arith.constant 0 : i32
    %scan3A_79 = arith.constant 1024 : i32
    %scan3A_80 = arith.addi %scan3A_78, %scan3A_79 : i32
    %scan3A_81 = arith.constant 8 : i32
    scf.for %scan3A_144 = %scan3A_78 to %scan3A_80 step %scan3A_81  : i32 {
      %mul3A_145 = arith.constant 16 : i32
      %mul3A_146 = arith.muli %scan3A_144, %mul3A_145 : i32
      %get3A = arith.index_cast %mul3A_146 : i32 to index
      %get3A_147 = tpu.vector_load %arg5[%get3A] {strides = array<i32>} : memref<16384xi32, #tpu.memory_space<vmem>>, vector<16xi32>,
      %shift_right_logical3A = arith.constant 15 : i32
      %shift_right_logical3A_148 = vector.broadcast %shift_right_logical3A : i32 to vector<16xi32>
      %shift_right_logical3A_149 = arith.shrui %get3A_147, %shift_right_logical3A_148 : vector<16xi32>
      %ge3A = arith.constant 0 : i32
      %ge3A_150 = vector.broadcast %ge3A : i32 to vector<16xi32>
      %ge3A_151 = arith.cmpi sge, %get3A_147, %ge3A_150 : vector<16xi32>
      tpu.vector_store_idx %arg6[%shift_right_logical3A_149], %broadcast_in_dim3A_5 masked %ge3A_151 {add = true} : memref<65536xf32, #tpu.memory_space<vmem>>[vector<16xi32>], vector<16xf32>, vector<16xi1>
      %scan3A_152 = arith.constant 1 : i32
      %scan3A_153 = arith.addi %scan3A_144, %scan3A_152 : i32
      %mul3A_154 = arith.constant 16 : i32
      %mul3A_155 = arith.muli %scan3A_153, %mul3A_154 : i32
      %get3A_156 = arith.index_cast %mul3A_155 : i32 to index
      %get3A_157 = tpu.vector_load %arg5[%get3A_156] {strides = array<i32>} : memref<16384xi32, #tpu.memory_space<vmem>>, vector<16xi32>,
      %shift_right_logical3A_158 = arith.constant 15 : i32
      %shift_right_logical3A_159 = vector.broadcast %shift_right_logical3A_158 : i32 to vector<16xi32>
      %shift_right_logical3A_160 = arith.shrui %get3A_157, %shift_right_logical3A_159 : vector<16xi32>
      %ge3A_161 = arith.constant 0 : i32
      %ge3A_162 = vector.broadcast %ge3A_161 : i32 to vector<16xi32>
      %ge3A_163 = arith.cmpi sge, %get3A_157, %ge3A_162 : vector<16xi32>
      tpu.vector_store_idx %arg6[%shift_right_logical3A_160], %broadcast_in_dim3A_5 masked %ge3A_163 {add = true} : memref<65536xf32, #tpu.memory_space<vmem>>[vector<16xi32>], vector<16xf32>, vector<16xi1>
      %scan3A_164 = arith.constant 2 : i32
      %scan3A_165 = arith.addi %scan3A_144, %scan3A_164 : i32
      %mul3A_166 = arith.constant 16 : i32
      %mul3A_167 = arith.muli %scan3A_165, %mul3A_166 : i32
      %get3A_168 = arith.index_cast %mul3A_167 : i32 to index
      %get3A_169 = tpu.vector_load %arg5[%get3A_168] {strides = array<i32>} : memref<16384xi32, #tpu.memory_space<vmem>>, vector<16xi32>,
      %shift_right_logical3A_170 = arith.constant 15 : i32
      %shift_right_logical3A_171 = vector.broadcast %shift_right_logical3A_170 : i32 to vector<16xi32>
      %shift_right_logical3A_172 = arith.shrui %get3A_169, %shift_right_logical3A_171 : vector<16xi32>
      %ge3A_173 = arith.constant 0 : i32
      %ge3A_174 = vector.broadcast %ge3A_173 : i32 to vector<16xi32>
      %ge3A_175 = arith.cmpi sge, %get3A_169, %ge3A_174 : vector<16xi32>
      tpu.vector_store_idx %arg6[%shift_right_logical3A_172], %broadcast_in_dim3A_5 masked %ge3A_175 {add = true} : memref<65536xf32, #tpu.memory_space<vmem>>[vector<16xi32>], vector<16xf32>, vector<16xi1>
      %scan3A_176 = arith.constant 3 : i32
      %scan3A_177 = arith.addi %scan3A_144, %scan3A_176 : i32
      %mul3A_178 = arith.constant 16 : i32
      %mul3A_179 = arith.muli %scan3A_177, %mul3A_178 : i32
      %get3A_180 = arith.index_cast %mul3A_179 : i32 to index
      %get3A_181 = tpu.vector_load %arg5[%get3A_180] {strides = array<i32>} : memref<16384xi32, #tpu.memory_space<vmem>>, vector<16xi32>,
      %shift_right_logical3A_182 = arith.constant 15 : i32
      %shift_right_logical3A_183 = vector.broadcast %shift_right_logical3A_182 : i32 to vector<16xi32>
      %shift_right_logical3A_184 = arith.shrui %get3A_181, %shift_right_logical3A_183 : vector<16xi32>
      %ge3A_185 = arith.constant 0 : i32
      %ge3A_186 = vector.broadcast %ge3A_185 : i32 to vector<16xi32>
      %ge3A_187 = arith.cmpi sge, %get3A_181, %ge3A_186 : vector<16xi32>
      tpu.vector_store_idx %arg6[%shift_right_logical3A_184], %broadcast_in_dim3A_5 masked %ge3A_187 {add = true} : memref<65536xf32, #tpu.memory_space<vmem>>[vector<16xi32>], vector<16xf32>, vector<16xi1>
      %scan3A_188 = arith.constant 4 : i32
      %scan3A_189 = arith.addi %scan3A_144, %scan3A_188 : i32
      %mul3A_190 = arith.constant 16 : i32
      %mul3A_191 = arith.muli %scan3A_189, %mul3A_190 : i32
      %get3A_192 = arith.index_cast %mul3A_191 : i32 to index
      %get3A_193 = tpu.vector_load %arg5[%get3A_192] {strides = array<i32>} : memref<16384xi32, #tpu.memory_space<vmem>>, vector<16xi32>,
      %shift_right_logical3A_194 = arith.constant 15 : i32
      %shift_right_logical3A_195 = vector.broadcast %shift_right_logical3A_194 : i32 to vector<16xi32>
      %shift_right_logical3A_196 = arith.shrui %get3A_193, %shift_right_logical3A_195 : vector<16xi32>
      %ge3A_197 = arith.constant 0 : i32
      %ge3A_198 = vector.broadcast %ge3A_197 : i32 to vector<16xi32>
      %ge3A_199 = arith.cmpi sge, %get3A_193, %ge3A_198 : vector<16xi32>
      tpu.vector_store_idx %arg6[%shift_right_logical3A_196], %broadcast_in_dim3A_5 masked %ge3A_199 {add = true} : memref<65536xf32, #tpu.memory_space<vmem>>[vector<16xi32>], vector<16xf32>, vector<16xi1>
      %scan3A_200 = arith.constant 5 : i32
      %scan3A_201 = arith.addi %scan3A_144, %scan3A_200 : i32
      %mul3A_202 = arith.constant 16 : i32
      %mul3A_203 = arith.muli %scan3A_201, %mul3A_202 : i32
      %get3A_204 = arith.index_cast %mul3A_203 : i32 to index
      %get3A_205 = tpu.vector_load %arg5[%get3A_204] {strides = array<i32>} : memref<16384xi32, #tpu.memory_space<vmem>>, vector<16xi32>,
      %shift_right_logical3A_206 = arith.constant 15 : i32
      %shift_right_logical3A_207 = vector.broadcast %shift_right_logical3A_206 : i32 to vector<16xi32>
      %shift_right_logical3A_208 = arith.shrui %get3A_205, %shift_right_logical3A_207 : vector<16xi32>
      %ge3A_209 = arith.constant 0 : i32
      %ge3A_210 = vector.broadcast %ge3A_209 : i32 to vector<16xi32>
      %ge3A_211 = arith.cmpi sge, %get3A_205, %ge3A_210 : vector<16xi32>
      tpu.vector_store_idx %arg6[%shift_right_logical3A_208], %broadcast_in_dim3A_5 masked %ge3A_211 {add = true} : memref<65536xf32, #tpu.memory_space<vmem>>[vector<16xi32>], vector<16xf32>, vector<16xi1>
      %scan3A_212 = arith.constant 6 : i32
      %scan3A_213 = arith.addi %scan3A_144, %scan3A_212 : i32
      %mul3A_214 = arith.constant 16 : i32
      %mul3A_215 = arith.muli %scan3A_213, %mul3A_214 : i32
      %get3A_216 = arith.index_cast %mul3A_215 : i32 to index
      %get3A_217 = tpu.vector_load %arg5[%get3A_216] {strides = array<i32>} : memref<16384xi32, #tpu.memory_space<vmem>>, vector<16xi32>,
      %shift_right_logical3A_218 = arith.constant 15 : i32
      %shift_right_logical3A_219 = vector.broadcast %shift_right_logical3A_218 : i32 to vector<16xi32>
      %shift_right_logical3A_220 = arith.shrui %get3A_217, %shift_right_logical3A_219 : vector<16xi32>
      %ge3A_221 = arith.constant 0 : i32
      %ge3A_222 = vector.broadcast %ge3A_221 : i32 to vector<16xi32>
      %ge3A_223 = arith.cmpi sge, %get3A_217, %ge3A_222 : vector<16xi32>
      tpu.vector_store_idx %arg6[%shift_right_logical3A_220], %broadcast_in_dim3A_5 masked %ge3A_223 {add = true} : memref<65536xf32, #tpu.memory_space<vmem>>[vector<16xi32>], vector<16xf32>, vector<16xi1>
      %scan3A_224 = arith.constant 7 : i32
      %scan3A_225 = arith.addi %scan3A_144, %scan3A_224 : i32
      %mul3A_226 = arith.constant 16 : i32
      %mul3A_227 = arith.muli %scan3A_225, %mul3A_226 : i32
      %get3A_228 = arith.index_cast %mul3A_227 : i32 to index
      %get3A_229 = tpu.vector_load %arg5[%get3A_228] {strides = array<i32>} : memref<16384xi32, #tpu.memory_space<vmem>>, vector<16xi32>,
      %shift_right_logical3A_230 = arith.constant 15 : i32
      %shift_right_logical3A_231 = vector.broadcast %shift_right_logical3A_230 : i32 to vector<16xi32>
      %shift_right_logical3A_232 = arith.shrui %get3A_229, %shift_right_logical3A_231 : vector<16xi32>
      %ge3A_233 = arith.constant 0 : i32
      %ge3A_234 = vector.broadcast %ge3A_233 : i32 to vector<16xi32>
      %ge3A_235 = arith.cmpi sge, %get3A_229, %ge3A_234 : vector<16xi32>
      tpu.vector_store_idx %arg6[%shift_right_logical3A_232], %broadcast_in_dim3A_5 masked %ge3A_235 {add = true} : memref<65536xf32, #tpu.memory_space<vmem>>[vector<16xi32>], vector<16xf32>, vector<16xi1>
    }
    %scan3A_82 = arith.constant 1024 : i32
    %add3A_83 = arith.constant 81920 : i32
    %add3A_84 = arith.addi %mul3A_2, %add3A_83 : i32
    %dma_start3A_85 = arith.constant 1 : i32
    %dma_start3A_86 = tpu.memref_slice %arg2[%add3A_84] : memref<4194304xi32, #tpu.memory_space<hbm>> -> memref<16384xi32, #tpu.memory_space<hbm>>
    %dma_start3A_87 = tpu.memref_slice %arg7[%dma_start3A_85] : memref<2x!tpu.dma_semaphore, #tpu.memory_space<semaphore_mem>> -> memref<1x!tpu.dma_semaphore, #tpu.memory_space<semaphore_mem>>
    %dma_start3A_88 = tpu.memref_squeeze %dma_start3A_87 : memref<1x!tpu.dma_semaphore, #tpu.memory_space<semaphore_mem>> -> memref<!tpu.dma_semaphore, #tpu.memory_space<semaphore_mem>>
    %dma_start3A_89 = tpu.memref_slice %arg2[%add3A_84] : memref<4194304xi32, #tpu.memory_space<hbm>> -> memref<16384xi32, #tpu.memory_space<hbm>>
    tpu.enqueue_dma source(%dma_start3A_89 : memref<16384xi32, #tpu.memory_space<hbm>>) target(%arg5 : memref<16384xi32, #tpu.memory_space<vmem>>) target_semaphore(%dma_start3A_88 : memref<!tpu.dma_semaphore, #tpu.memory_space<semaphore_mem>>)
    %dma_wait3A_90 = arith.constant 0 : i32
    %dma_wait3A_91 = tpu.memref_slice %arg2[%add3A_67] : memref<4194304xi32, #tpu.memory_space<hbm>> -> memref<16384xi32, #tpu.memory_space<hbm>>
    %dma_wait3A_92 = tpu.memref_slice %arg7[%dma_wait3A_90] : memref<2x!tpu.dma_semaphore, #tpu.memory_space<semaphore_mem>> -> memref<1x!tpu.dma_semaphore, #tpu.memory_space<semaphore_mem>>
    %dma_wait3A_93 = tpu.memref_squeeze %dma_wait3A_92 : memref<1x!tpu.dma_semaphore, #tpu.memory_space<semaphore_mem>> -> memref<!tpu.dma_semaphore, #tpu.memory_space<semaphore_mem>>
    %dma_wait3A_94 = tpu.memref_slice %arg2[%add3A_67] : memref<4194304xi32, #tpu.memory_space<hbm>> -> memref<16384xi32, #tpu.memory_space<hbm>>
    tpu.wait_dma2 semaphore(%dma_wait3A_93 : memref<!tpu.dma_semaphore, #tpu.memory_space<semaphore_mem>>) src(%dma_wait3A_94 : memref<16384xi32, #tpu.memory_space<hbm>>) dst(%arg4 : memref<16384xi32, #tpu.memory_space<vmem>>)
    %scan3A_95 = arith.constant 0 : i32
    %scan3A_96 = arith.constant 1024 : i32
    %scan3A_97 = arith.addi %scan3A_95, %scan3A_96 : i32
    %scan3A_98 = arith.constant 8 : i32
    scf.for %scan3A_144 = %scan3A_95 to %scan3A_97 step %scan3A_98  : i32 {
      %mul3A_145 = arith.constant 16 : i32
      %mul3A_146 = arith.muli %scan3A_144, %mul3A_145 : i32
      %get3A = arith.index_cast %mul3A_146 : i32 to index
      %get3A_147 = tpu.vector_load %arg4[%get3A] {strides = array<i32>} : memref<16384xi32, #tpu.memory_space<vmem>>, vector<16xi32>,
      %shift_right_logical3A = arith.constant 15 : i32
      %shift_right_logical3A_148 = vector.broadcast %shift_right_logical3A : i32 to vector<16xi32>
      %shift_right_logical3A_149 = arith.shrui %get3A_147, %shift_right_logical3A_148 : vector<16xi32>
      %ge3A = arith.constant 0 : i32
      %ge3A_150 = vector.broadcast %ge3A : i32 to vector<16xi32>
      %ge3A_151 = arith.cmpi sge, %get3A_147, %ge3A_150 : vector<16xi32>
      tpu.vector_store_idx %arg6[%shift_right_logical3A_149], %broadcast_in_dim3A_5 masked %ge3A_151 {add = true} : memref<65536xf32, #tpu.memory_space<vmem>>[vector<16xi32>], vector<16xf32>, vector<16xi1>
      %scan3A_152 = arith.constant 1 : i32
      %scan3A_153 = arith.addi %scan3A_144, %scan3A_152 : i32
      %mul3A_154 = arith.constant 16 : i32
      %mul3A_155 = arith.muli %scan3A_153, %mul3A_154 : i32
      %get3A_156 = arith.index_cast %mul3A_155 : i32 to index
      %get3A_157 = tpu.vector_load %arg4[%get3A_156] {strides = array<i32>} : memref<16384xi32, #tpu.memory_space<vmem>>, vector<16xi32>,
      %shift_right_logical3A_158 = arith.constant 15 : i32
      %shift_right_logical3A_159 = vector.broadcast %shift_right_logical3A_158 : i32 to vector<16xi32>
      %shift_right_logical3A_160 = arith.shrui %get3A_157, %shift_right_logical3A_159 : vector<16xi32>
      %ge3A_161 = arith.constant 0 : i32
      %ge3A_162 = vector.broadcast %ge3A_161 : i32 to vector<16xi32>
      %ge3A_163 = arith.cmpi sge, %get3A_157, %ge3A_162 : vector<16xi32>
      tpu.vector_store_idx %arg6[%shift_right_logical3A_160], %broadcast_in_dim3A_5 masked %ge3A_163 {add = true} : memref<65536xf32, #tpu.memory_space<vmem>>[vector<16xi32>], vector<16xf32>, vector<16xi1>
      %scan3A_164 = arith.constant 2 : i32
      %scan3A_165 = arith.addi %scan3A_144, %scan3A_164 : i32
      %mul3A_166 = arith.constant 16 : i32
      %mul3A_167 = arith.muli %scan3A_165, %mul3A_166 : i32
      %get3A_168 = arith.index_cast %mul3A_167 : i32 to index
      %get3A_169 = tpu.vector_load %arg4[%get3A_168] {strides = array<i32>} : memref<16384xi32, #tpu.memory_space<vmem>>, vector<16xi32>,
      %shift_right_logical3A_170 = arith.constant 15 : i32
      %shift_right_logical3A_171 = vector.broadcast %shift_right_logical3A_170 : i32 to vector<16xi32>
      %shift_right_logical3A_172 = arith.shrui %get3A_169, %shift_right_logical3A_171 : vector<16xi32>
      %ge3A_173 = arith.constant 0 : i32
      %ge3A_174 = vector.broadcast %ge3A_173 : i32 to vector<16xi32>
      %ge3A_175 = arith.cmpi sge, %get3A_169, %ge3A_174 : vector<16xi32>
      tpu.vector_store_idx %arg6[%shift_right_logical3A_172], %broadcast_in_dim3A_5 masked %ge3A_175 {add = true} : memref<65536xf32, #tpu.memory_space<vmem>>[vector<16xi32>], vector<16xf32>, vector<16xi1>
      %scan3A_176 = arith.constant 3 : i32
      %scan3A_177 = arith.addi %scan3A_144, %scan3A_176 : i32
      %mul3A_178 = arith.constant 16 : i32
      %mul3A_179 = arith.muli %scan3A_177, %mul3A_178 : i32
      %get3A_180 = arith.index_cast %mul3A_179 : i32 to index
      %get3A_181 = tpu.vector_load %arg4[%get3A_180] {strides = array<i32>} : memref<16384xi32, #tpu.memory_space<vmem>>, vector<16xi32>,
      %shift_right_logical3A_182 = arith.constant 15 : i32
      %shift_right_logical3A_183 = vector.broadcast %shift_right_logical3A_182 : i32 to vector<16xi32>
      %shift_right_logical3A_184 = arith.shrui %get3A_181, %shift_right_logical3A_183 : vector<16xi32>
      %ge3A_185 = arith.constant 0 : i32
      %ge3A_186 = vector.broadcast %ge3A_185 : i32 to vector<16xi32>
      %ge3A_187 = arith.cmpi sge, %get3A_181, %ge3A_186 : vector<16xi32>
      tpu.vector_store_idx %arg6[%shift_right_logical3A_184], %broadcast_in_dim3A_5 masked %ge3A_187 {add = true} : memref<65536xf32, #tpu.memory_space<vmem>>[vector<16xi32>], vector<16xf32>, vector<16xi1>
      %scan3A_188 = arith.constant 4 : i32
      %scan3A_189 = arith.addi %scan3A_144, %scan3A_188 : i32
      %mul3A_190 = arith.constant 16 : i32
      %mul3A_191 = arith.muli %scan3A_189, %mul3A_190 : i32
      %get3A_192 = arith.index_cast %mul3A_191 : i32 to index
      %get3A_193 = tpu.vector_load %arg4[%get3A_192] {strides = array<i32>} : memref<16384xi32, #tpu.memory_space<vmem>>, vector<16xi32>,
      %shift_right_logical3A_194 = arith.constant 15 : i32
      %shift_right_logical3A_195 = vector.broadcast %shift_right_logical3A_194 : i32 to vector<16xi32>
      %shift_right_logical3A_196 = arith.shrui %get3A_193, %shift_right_logical3A_195 : vector<16xi32>
      %ge3A_197 = arith.constant 0 : i32
      %ge3A_198 = vector.broadcast %ge3A_197 : i32 to vector<16xi32>
      %ge3A_199 = arith.cmpi sge, %get3A_193, %ge3A_198 : vector<16xi32>
      tpu.vector_store_idx %arg6[%shift_right_logical3A_196], %broadcast_in_dim3A_5 masked %ge3A_199 {add = true} : memref<65536xf32, #tpu.memory_space<vmem>>[vector<16xi32>], vector<16xf32>, vector<16xi1>
      %scan3A_200 = arith.constant 5 : i32
      %scan3A_201 = arith.addi %scan3A_144, %scan3A_200 : i32
      %mul3A_202 = arith.constant 16 : i32
      %mul3A_203 = arith.muli %scan3A_201, %mul3A_202 : i32
      %get3A_204 = arith.index_cast %mul3A_203 : i32 to index
      %get3A_205 = tpu.vector_load %arg4[%get3A_204] {strides = array<i32>} : memref<16384xi32, #tpu.memory_space<vmem>>, vector<16xi32>,
      %shift_right_logical3A_206 = arith.constant 15 : i32
      %shift_right_logical3A_207 = vector.broadcast %shift_right_logical3A_206 : i32 to vector<16xi32>
      %shift_right_logical3A_208 = arith.shrui %get3A_205, %shift_right_logical3A_207 : vector<16xi32>
      %ge3A_209 = arith.constant 0 : i32
      %ge3A_210 = vector.broadcast %ge3A_209 : i32 to vector<16xi32>
      %ge3A_211 = arith.cmpi sge, %get3A_205, %ge3A_210 : vector<16xi32>
      tpu.vector_store_idx %arg6[%shift_right_logical3A_208], %broadcast_in_dim3A_5 masked %ge3A_211 {add = true} : memref<65536xf32, #tpu.memory_space<vmem>>[vector<16xi32>], vector<16xf32>, vector<16xi1>
      %scan3A_212 = arith.constant 6 : i32
      %scan3A_213 = arith.addi %scan3A_144, %scan3A_212 : i32
      %mul3A_214 = arith.constant 16 : i32
      %mul3A_215 = arith.muli %scan3A_213, %mul3A_214 : i32
      %get3A_216 = arith.index_cast %mul3A_215 : i32 to index
      %get3A_217 = tpu.vector_load %arg4[%get3A_216] {strides = array<i32>} : memref<16384xi32, #tpu.memory_space<vmem>>, vector<16xi32>,
      %shift_right_logical3A_218 = arith.constant 15 : i32
      %shift_right_logical3A_219 = vector.broadcast %shift_right_logical3A_218 : i32 to vector<16xi32>
      %shift_right_logical3A_220 = arith.shrui %get3A_217, %shift_right_logical3A_219 : vector<16xi32>
      %ge3A_221 = arith.constant 0 : i32
      %ge3A_222 = vector.broadcast %ge3A_221 : i32 to vector<16xi32>
      %ge3A_223 = arith.cmpi sge, %get3A_217, %ge3A_222 : vector<16xi32>
      tpu.vector_store_idx %arg6[%shift_right_logical3A_220], %broadcast_in_dim3A_5 masked %ge3A_223 {add = true} : memref<65536xf32, #tpu.memory_space<vmem>>[vector<16xi32>], vector<16xf32>, vector<16xi1>
      %scan3A_224 = arith.constant 7 : i32
      %scan3A_225 = arith.addi %scan3A_144, %scan3A_224 : i32
      %mul3A_226 = arith.constant 16 : i32
      %mul3A_227 = arith.muli %scan3A_225, %mul3A_226 : i32
      %get3A_228 = arith.index_cast %mul3A_227 : i32 to index
      %get3A_229 = tpu.vector_load %arg4[%get3A_228] {strides = array<i32>} : memref<16384xi32, #tpu.memory_space<vmem>>, vector<16xi32>,
      %shift_right_logical3A_230 = arith.constant 15 : i32
      %shift_right_logical3A_231 = vector.broadcast %shift_right_logical3A_230 : i32 to vector<16xi32>
      %shift_right_logical3A_232 = arith.shrui %get3A_229, %shift_right_logical3A_231 : vector<16xi32>
      %ge3A_233 = arith.constant 0 : i32
      %ge3A_234 = vector.broadcast %ge3A_233 : i32 to vector<16xi32>
      %ge3A_235 = arith.cmpi sge, %get3A_229, %ge3A_234 : vector<16xi32>
      tpu.vector_store_idx %arg6[%shift_right_logical3A_232], %broadcast_in_dim3A_5 masked %ge3A_235 {add = true} : memref<65536xf32, #tpu.memory_space<vmem>>[vector<16xi32>], vector<16xf32>, vector<16xi1>
    }
    %scan3A_99 = arith.constant 1024 : i32
    %add3A_100 = arith.constant 98304 : i32
    %add3A_101 = arith.addi %mul3A_2, %add3A_100 : i32
    %dma_start3A_102 = arith.constant 0 : i32
    %dma_start3A_103 = tpu.memref_slice %arg2[%add3A_101] : memref<4194304xi32, #tpu.memory_space<hbm>> -> memref<16384xi32, #tpu.memory_space<hbm>>
    %dma_start3A_104 = tpu.memref_slice %arg7[%dma_start3A_102] : memref<2x!tpu.dma_semaphore, #tpu.memory_space<semaphore_mem>> -> memref<1x!tpu.dma_semaphore, #tpu.memory_space<semaphore_mem>>
    %dma_start3A_105 = tpu.memref_squeeze %dma_start3A_104 : memref<1x!tpu.dma_semaphore, #tpu.memory_space<semaphore_mem>> -> memref<!tpu.dma_semaphore, #tpu.memory_space<semaphore_mem>>
    %dma_start3A_106 = tpu.memref_slice %arg2[%add3A_101] : memref<4194304xi32, #tpu.memory_space<hbm>> -> memref<16384xi32, #tpu.memory_space<hbm>>
    tpu.enqueue_dma source(%dma_start3A_106 : memref<16384xi32, #tpu.memory_space<hbm>>) target(%arg4 : memref<16384xi32, #tpu.memory_space<vmem>>) target_semaphore(%dma_start3A_105 : memref<!tpu.dma_semaphore, #tpu.memory_space<semaphore_mem>>)
    %dma_wait3A_107 = arith.constant 1 : i32
    %dma_wait3A_108 = tpu.memref_slice %arg2[%add3A_84] : memref<4194304xi32, #tpu.memory_space<hbm>> -> memref<16384xi32, #tpu.memory_space<hbm>>
    %dma_wait3A_109 = tpu.memref_slice %arg7[%dma_wait3A_107] : memref<2x!tpu.dma_semaphore, #tpu.memory_space<semaphore_mem>> -> memref<1x!tpu.dma_semaphore, #tpu.memory_space<semaphore_mem>>
    %dma_wait3A_110 = tpu.memref_squeeze %dma_wait3A_109 : memref<1x!tpu.dma_semaphore, #tpu.memory_space<semaphore_mem>> -> memref<!tpu.dma_semaphore, #tpu.memory_space<semaphore_mem>>
    %dma_wait3A_111 = tpu.memref_slice %arg2[%add3A_84] : memref<4194304xi32, #tpu.memory_space<hbm>> -> memref<16384xi32, #tpu.memory_space<hbm>>
    tpu.wait_dma2 semaphore(%dma_wait3A_110 : memref<!tpu.dma_semaphore, #tpu.memory_space<semaphore_mem>>) src(%dma_wait3A_111 : memref<16384xi32, #tpu.memory_space<hbm>>) dst(%arg5 : memref<16384xi32, #tpu.memory_space<vmem>>)
    %scan3A_112 = arith.constant 0 : i32
    %scan3A_113 = arith.constant 1024 : i32
    %scan3A_114 = arith.addi %scan3A_112, %scan3A_113 : i32
    %scan3A_115 = arith.constant 8 : i32
    scf.for %scan3A_144 = %scan3A_112 to %scan3A_114 step %scan3A_115  : i32 {
      %mul3A_145 = arith.constant 16 : i32
      %mul3A_146 = arith.muli %scan3A_144, %mul3A_145 : i32
      %get3A = arith.index_cast %mul3A_146 : i32 to index
      %get3A_147 = tpu.vector_load %arg5[%get3A] {strides = array<i32>} : memref<16384xi32, #tpu.memory_space<vmem>>, vector<16xi32>,
      %shift_right_logical3A = arith.constant 15 : i32
      %shift_right_logical3A_148 = vector.broadcast %shift_right_logical3A : i32 to vector<16xi32>
      %shift_right_logical3A_149 = arith.shrui %get3A_147, %shift_right_logical3A_148 : vector<16xi32>
      %ge3A = arith.constant 0 : i32
      %ge3A_150 = vector.broadcast %ge3A : i32 to vector<16xi32>
      %ge3A_151 = arith.cmpi sge, %get3A_147, %ge3A_150 : vector<16xi32>
      tpu.vector_store_idx %arg6[%shift_right_logical3A_149], %broadcast_in_dim3A_5 masked %ge3A_151 {add = true} : memref<65536xf32, #tpu.memory_space<vmem>>[vector<16xi32>], vector<16xf32>, vector<16xi1>
      %scan3A_152 = arith.constant 1 : i32
      %scan3A_153 = arith.addi %scan3A_144, %scan3A_152 : i32
      %mul3A_154 = arith.constant 16 : i32
      %mul3A_155 = arith.muli %scan3A_153, %mul3A_154 : i32
      %get3A_156 = arith.index_cast %mul3A_155 : i32 to index
      %get3A_157 = tpu.vector_load %arg5[%get3A_156] {strides = array<i32>} : memref<16384xi32, #tpu.memory_space<vmem>>, vector<16xi32>,
      %shift_right_logical3A_158 = arith.constant 15 : i32
      %shift_right_logical3A_159 = vector.broadcast %shift_right_logical3A_158 : i32 to vector<16xi32>
      %shift_right_logical3A_160 = arith.shrui %get3A_157, %shift_right_logical3A_159 : vector<16xi32>
      %ge3A_161 = arith.constant 0 : i32
      %ge3A_162 = vector.broadcast %ge3A_161 : i32 to vector<16xi32>
      %ge3A_163 = arith.cmpi sge, %get3A_157, %ge3A_162 : vector<16xi32>
      tpu.vector_store_idx %arg6[%shift_right_logical3A_160], %broadcast_in_dim3A_5 masked %ge3A_163 {add = true} : memref<65536xf32, #tpu.memory_space<vmem>>[vector<16xi32>], vector<16xf32>, vector<16xi1>
      %scan3A_164 = arith.constant 2 : i32
      %scan3A_165 = arith.addi %scan3A_144, %scan3A_164 : i32
      %mul3A_166 = arith.constant 16 : i32
      %mul3A_167 = arith.muli %scan3A_165, %mul3A_166 : i32
      %get3A_168 = arith.index_cast %mul3A_167 : i32 to index
      %get3A_169 = tpu.vector_load %arg5[%get3A_168] {strides = array<i32>} : memref<16384xi32, #tpu.memory_space<vmem>>, vector<16xi32>,
      %shift_right_logical3A_170 = arith.constant 15 : i32
      %shift_right_logical3A_171 = vector.broadcast %shift_right_logical3A_170 : i32 to vector<16xi32>
      %shift_right_logical3A_172 = arith.shrui %get3A_169, %shift_right_logical3A_171 : vector<16xi32>
      %ge3A_173 = arith.constant 0 : i32
      %ge3A_174 = vector.broadcast %ge3A_173 : i32 to vector<16xi32>
      %ge3A_175 = arith.cmpi sge, %get3A_169, %ge3A_174 : vector<16xi32>
      tpu.vector_store_idx %arg6[%shift_right_logical3A_172], %broadcast_in_dim3A_5 masked %ge3A_175 {add = true} : memref<65536xf32, #tpu.memory_space<vmem>>[vector<16xi32>], vector<16xf32>, vector<16xi1>
      %scan3A_176 = arith.constant 3 : i32
      %scan3A_177 = arith.addi %scan3A_144, %scan3A_176 : i32
      %mul3A_178 = arith.constant 16 : i32
      %mul3A_179 = arith.muli %scan3A_177, %mul3A_178 : i32
      %get3A_180 = arith.index_cast %mul3A_179 : i32 to index
      %get3A_181 = tpu.vector_load %arg5[%get3A_180] {strides = array<i32>} : memref<16384xi32, #tpu.memory_space<vmem>>, vector<16xi32>,
      %shift_right_logical3A_182 = arith.constant 15 : i32
      %shift_right_logical3A_183 = vector.broadcast %shift_right_logical3A_182 : i32 to vector<16xi32>
      %shift_right_logical3A_184 = arith.shrui %get3A_181, %shift_right_logical3A_183 : vector<16xi32>
      %ge3A_185 = arith.constant 0 : i32
      %ge3A_186 = vector.broadcast %ge3A_185 : i32 to vector<16xi32>
      %ge3A_187 = arith.cmpi sge, %get3A_181, %ge3A_186 : vector<16xi32>
      tpu.vector_store_idx %arg6[%shift_right_logical3A_184], %broadcast_in_dim3A_5 masked %ge3A_187 {add = true} : memref<65536xf32, #tpu.memory_space<vmem>>[vector<16xi32>], vector<16xf32>, vector<16xi1>
      %scan3A_188 = arith.constant 4 : i32
      %scan3A_189 = arith.addi %scan3A_144, %scan3A_188 : i32
      %mul3A_190 = arith.constant 16 : i32
      %mul3A_191 = arith.muli %scan3A_189, %mul3A_190 : i32
      %get3A_192 = arith.index_cast %mul3A_191 : i32 to index
      %get3A_193 = tpu.vector_load %arg5[%get3A_192] {strides = array<i32>} : memref<16384xi32, #tpu.memory_space<vmem>>, vector<16xi32>,
      %shift_right_logical3A_194 = arith.constant 15 : i32
      %shift_right_logical3A_195 = vector.broadcast %shift_right_logical3A_194 : i32 to vector<16xi32>
      %shift_right_logical3A_196 = arith.shrui %get3A_193, %shift_right_logical3A_195 : vector<16xi32>
      %ge3A_197 = arith.constant 0 : i32
      %ge3A_198 = vector.broadcast %ge3A_197 : i32 to vector<16xi32>
      %ge3A_199 = arith.cmpi sge, %get3A_193, %ge3A_198 : vector<16xi32>
      tpu.vector_store_idx %arg6[%shift_right_logical3A_196], %broadcast_in_dim3A_5 masked %ge3A_199 {add = true} : memref<65536xf32, #tpu.memory_space<vmem>>[vector<16xi32>], vector<16xf32>, vector<16xi1>
      %scan3A_200 = arith.constant 5 : i32
      %scan3A_201 = arith.addi %scan3A_144, %scan3A_200 : i32
      %mul3A_202 = arith.constant 16 : i32
      %mul3A_203 = arith.muli %scan3A_201, %mul3A_202 : i32
      %get3A_204 = arith.index_cast %mul3A_203 : i32 to index
      %get3A_205 = tpu.vector_load %arg5[%get3A_204] {strides = array<i32>} : memref<16384xi32, #tpu.memory_space<vmem>>, vector<16xi32>,
      %shift_right_logical3A_206 = arith.constant 15 : i32
      %shift_right_logical3A_207 = vector.broadcast %shift_right_logical3A_206 : i32 to vector<16xi32>
      %shift_right_logical3A_208 = arith.shrui %get3A_205, %shift_right_logical3A_207 : vector<16xi32>
      %ge3A_209 = arith.constant 0 : i32
      %ge3A_210 = vector.broadcast %ge3A_209 : i32 to vector<16xi32>
      %ge3A_211 = arith.cmpi sge, %get3A_205, %ge3A_210 : vector<16xi32>
      tpu.vector_store_idx %arg6[%shift_right_logical3A_208], %broadcast_in_dim3A_5 masked %ge3A_211 {add = true} : memref<65536xf32, #tpu.memory_space<vmem>>[vector<16xi32>], vector<16xf32>, vector<16xi1>
      %scan3A_212 = arith.constant 6 : i32
      %scan3A_213 = arith.addi %scan3A_144, %scan3A_212 : i32
      %mul3A_214 = arith.constant 16 : i32
      %mul3A_215 = arith.muli %scan3A_213, %mul3A_214 : i32
      %get3A_216 = arith.index_cast %mul3A_215 : i32 to index
      %get3A_217 = tpu.vector_load %arg5[%get3A_216] {strides = array<i32>} : memref<16384xi32, #tpu.memory_space<vmem>>, vector<16xi32>,
      %shift_right_logical3A_218 = arith.constant 15 : i32
      %shift_right_logical3A_219 = vector.broadcast %shift_right_logical3A_218 : i32 to vector<16xi32>
      %shift_right_logical3A_220 = arith.shrui %get3A_217, %shift_right_logical3A_219 : vector<16xi32>
      %ge3A_221 = arith.constant 0 : i32
      %ge3A_222 = vector.broadcast %ge3A_221 : i32 to vector<16xi32>
      %ge3A_223 = arith.cmpi sge, %get3A_217, %ge3A_222 : vector<16xi32>
      tpu.vector_store_idx %arg6[%shift_right_logical3A_220], %broadcast_in_dim3A_5 masked %ge3A_223 {add = true} : memref<65536xf32, #tpu.memory_space<vmem>>[vector<16xi32>], vector<16xf32>, vector<16xi1>
      %scan3A_224 = arith.constant 7 : i32
      %scan3A_225 = arith.addi %scan3A_144, %scan3A_224 : i32
      %mul3A_226 = arith.constant 16 : i32
      %mul3A_227 = arith.muli %scan3A_225, %mul3A_226 : i32
      %get3A_228 = arith.index_cast %mul3A_227 : i32 to index
      %get3A_229 = tpu.vector_load %arg5[%get3A_228] {strides = array<i32>} : memref<16384xi32, #tpu.memory_space<vmem>>, vector<16xi32>,
      %shift_right_logical3A_230 = arith.constant 15 : i32
      %shift_right_logical3A_231 = vector.broadcast %shift_right_logical3A_230 : i32 to vector<16xi32>
      %shift_right_logical3A_232 = arith.shrui %get3A_229, %shift_right_logical3A_231 : vector<16xi32>
      %ge3A_233 = arith.constant 0 : i32
      %ge3A_234 = vector.broadcast %ge3A_233 : i32 to vector<16xi32>
      %ge3A_235 = arith.cmpi sge, %get3A_229, %ge3A_234 : vector<16xi32>
      tpu.vector_store_idx %arg6[%shift_right_logical3A_232], %broadcast_in_dim3A_5 masked %ge3A_235 {add = true} : memref<65536xf32, #tpu.memory_space<vmem>>[vector<16xi32>], vector<16xf32>, vector<16xi1>
    }
    %scan3A_116 = arith.constant 1024 : i32
    %add3A_117 = arith.constant 114688 : i32
    %add3A_118 = arith.addi %mul3A_2, %add3A_117 : i32
    %dma_start3A_119 = arith.constant 1 : i32
    %dma_start3A_120 = tpu.memref_slice %arg2[%add3A_118] : memref<4194304xi32, #tpu.memory_space<hbm>> -> memref<16384xi32, #tpu.memory_space<hbm>>
    %dma_start3A_121 = tpu.memref_slice %arg7[%dma_start3A_119] : memref<2x!tpu.dma_semaphore, #tpu.memory_space<semaphore_mem>> -> memref<1x!tpu.dma_semaphore, #tpu.memory_space<semaphore_mem>>
    %dma_start3A_122 = tpu.memref_squeeze %dma_start3A_121 : memref<1x!tpu.dma_semaphore, #tpu.memory_space<semaphore_mem>> -> memref<!tpu.dma_semaphore, #tpu.memory_space<semaphore_mem>>
    %dma_start3A_123 = tpu.memref_slice %arg2[%add3A_118] : memref<4194304xi32, #tpu.memory_space<hbm>> -> memref<16384xi32, #tpu.memory_space<hbm>>
    tpu.enqueue_dma source(%dma_start3A_123 : memref<16384xi32, #tpu.memory_space<hbm>>) target(%arg5 : memref<16384xi32, #tpu.memory_space<vmem>>) target_semaphore(%dma_start3A_122 : memref<!tpu.dma_semaphore, #tpu.memory_space<semaphore_mem>>)
    %dma_wait3A_124 = arith.constant 0 : i32
    %dma_wait3A_125 = tpu.memref_slice %arg2[%add3A_101] : memref<4194304xi32, #tpu.memory_space<hbm>> -> memref<16384xi32, #tpu.memory_space<hbm>>
    %dma_wait3A_126 = tpu.memref_slice %arg7[%dma_wait3A_124] : memref<2x!tpu.dma_semaphore, #tpu.memory_space<semaphore_mem>> -> memref<1x!tpu.dma_semaphore, #tpu.memory_space<semaphore_mem>>
    %dma_wait3A_127 = tpu.memref_squeeze %dma_wait3A_126 : memref<1x!tpu.dma_semaphore, #tpu.memory_space<semaphore_mem>> -> memref<!tpu.dma_semaphore, #tpu.memory_space<semaphore_mem>>
    %dma_wait3A_128 = tpu.memref_slice %arg2[%add3A_101] : memref<4194304xi32, #tpu.memory_space<hbm>> -> memref<16384xi32, #tpu.memory_space<hbm>>
    tpu.wait_dma2 semaphore(%dma_wait3A_127 : memref<!tpu.dma_semaphore, #tpu.memory_space<semaphore_mem>>) src(%dma_wait3A_128 : memref<16384xi32, #tpu.memory_space<hbm>>) dst(%arg4 : memref<16384xi32, #tpu.memory_space<vmem>>)
    %scan3A_129 = arith.constant 0 : i32
    %scan3A_130 = arith.constant 1024 : i32
    %scan3A_131 = arith.addi %scan3A_129, %scan3A_130 : i32
    %scan3A_132 = arith.constant 8 : i32
    scf.for %scan3A_144 = %scan3A_129 to %scan3A_131 step %scan3A_132  : i32 {
      %mul3A_145 = arith.constant 16 : i32
      %mul3A_146 = arith.muli %scan3A_144, %mul3A_145 : i32
      %get3A = arith.index_cast %mul3A_146 : i32 to index
      %get3A_147 = tpu.vector_load %arg4[%get3A] {strides = array<i32>} : memref<16384xi32, #tpu.memory_space<vmem>>, vector<16xi32>,
      %shift_right_logical3A = arith.constant 15 : i32
      %shift_right_logical3A_148 = vector.broadcast %shift_right_logical3A : i32 to vector<16xi32>
      %shift_right_logical3A_149 = arith.shrui %get3A_147, %shift_right_logical3A_148 : vector<16xi32>
      %ge3A = arith.constant 0 : i32
      %ge3A_150 = vector.broadcast %ge3A : i32 to vector<16xi32>
      %ge3A_151 = arith.cmpi sge, %get3A_147, %ge3A_150 : vector<16xi32>
      tpu.vector_store_idx %arg6[%shift_right_logical3A_149], %broadcast_in_dim3A_5 masked %ge3A_151 {add = true} : memref<65536xf32, #tpu.memory_space<vmem>>[vector<16xi32>], vector<16xf32>, vector<16xi1>
      %scan3A_152 = arith.constant 1 : i32
      %scan3A_153 = arith.addi %scan3A_144, %scan3A_152 : i32
      %mul3A_154 = arith.constant 16 : i32
      %mul3A_155 = arith.muli %scan3A_153, %mul3A_154 : i32
      %get3A_156 = arith.index_cast %mul3A_155 : i32 to index
      %get3A_157 = tpu.vector_load %arg4[%get3A_156] {strides = array<i32>} : memref<16384xi32, #tpu.memory_space<vmem>>, vector<16xi32>,
      %shift_right_logical3A_158 = arith.constant 15 : i32
      %shift_right_logical3A_159 = vector.broadcast %shift_right_logical3A_158 : i32 to vector<16xi32>
      %shift_right_logical3A_160 = arith.shrui %get3A_157, %shift_right_logical3A_159 : vector<16xi32>
      %ge3A_161 = arith.constant 0 : i32
      %ge3A_162 = vector.broadcast %ge3A_161 : i32 to vector<16xi32>
      %ge3A_163 = arith.cmpi sge, %get3A_157, %ge3A_162 : vector<16xi32>
      tpu.vector_store_idx %arg6[%shift_right_logical3A_160], %broadcast_in_dim3A_5 masked %ge3A_163 {add = true} : memref<65536xf32, #tpu.memory_space<vmem>>[vector<16xi32>], vector<16xf32>, vector<16xi1>
      %scan3A_164 = arith.constant 2 : i32
      %scan3A_165 = arith.addi %scan3A_144, %scan3A_164 : i32
      %mul3A_166 = arith.constant 16 : i32
      %mul3A_167 = arith.muli %scan3A_165, %mul3A_166 : i32
      %get3A_168 = arith.index_cast %mul3A_167 : i32 to index
      %get3A_169 = tpu.vector_load %arg4[%get3A_168] {strides = array<i32>} : memref<16384xi32, #tpu.memory_space<vmem>>, vector<16xi32>,
      %shift_right_logical3A_170 = arith.constant 15 : i32
      %shift_right_logical3A_171 = vector.broadcast %shift_right_logical3A_170 : i32 to vector<16xi32>
      %shift_right_logical3A_172 = arith.shrui %get3A_169, %shift_right_logical3A_171 : vector<16xi32>
      %ge3A_173 = arith.constant 0 : i32
      %ge3A_174 = vector.broadcast %ge3A_173 : i32 to vector<16xi32>
      %ge3A_175 = arith.cmpi sge, %get3A_169, %ge3A_174 : vector<16xi32>
      tpu.vector_store_idx %arg6[%shift_right_logical3A_172], %broadcast_in_dim3A_5 masked %ge3A_175 {add = true} : memref<65536xf32, #tpu.memory_space<vmem>>[vector<16xi32>], vector<16xf32>, vector<16xi1>
      %scan3A_176 = arith.constant 3 : i32
      %scan3A_177 = arith.addi %scan3A_144, %scan3A_176 : i32
      %mul3A_178 = arith.constant 16 : i32
      %mul3A_179 = arith.muli %scan3A_177, %mul3A_178 : i32
      %get3A_180 = arith.index_cast %mul3A_179 : i32 to index
      %get3A_181 = tpu.vector_load %arg4[%get3A_180] {strides = array<i32>} : memref<16384xi32, #tpu.memory_space<vmem>>, vector<16xi32>,
      %shift_right_logical3A_182 = arith.constant 15 : i32
      %shift_right_logical3A_183 = vector.broadcast %shift_right_logical3A_182 : i32 to vector<16xi32>
      %shift_right_logical3A_184 = arith.shrui %get3A_181, %shift_right_logical3A_183 : vector<16xi32>
      %ge3A_185 = arith.constant 0 : i32
      %ge3A_186 = vector.broadcast %ge3A_185 : i32 to vector<16xi32>
      %ge3A_187 = arith.cmpi sge, %get3A_181, %ge3A_186 : vector<16xi32>
      tpu.vector_store_idx %arg6[%shift_right_logical3A_184], %broadcast_in_dim3A_5 masked %ge3A_187 {add = true} : memref<65536xf32, #tpu.memory_space<vmem>>[vector<16xi32>], vector<16xf32>, vector<16xi1>
      %scan3A_188 = arith.constant 4 : i32
      %scan3A_189 = arith.addi %scan3A_144, %scan3A_188 : i32
      %mul3A_190 = arith.constant 16 : i32
      %mul3A_191 = arith.muli %scan3A_189, %mul3A_190 : i32
      %get3A_192 = arith.index_cast %mul3A_191 : i32 to index
      %get3A_193 = tpu.vector_load %arg4[%get3A_192] {strides = array<i32>} : memref<16384xi32, #tpu.memory_space<vmem>>, vector<16xi32>,
      %shift_right_logical3A_194 = arith.constant 15 : i32
      %shift_right_logical3A_195 = vector.broadcast %shift_right_logical3A_194 : i32 to vector<16xi32>
      %shift_right_logical3A_196 = arith.shrui %get3A_193, %shift_right_logical3A_195 : vector<16xi32>
      %ge3A_197 = arith.constant 0 : i32
      %ge3A_198 = vector.broadcast %ge3A_197 : i32 to vector<16xi32>
      %ge3A_199 = arith.cmpi sge, %get3A_193, %ge3A_198 : vector<16xi32>
      tpu.vector_store_idx %arg6[%shift_right_logical3A_196], %broadcast_in_dim3A_5 masked %ge3A_199 {add = true} : memref<65536xf32, #tpu.memory_space<vmem>>[vector<16xi32>], vector<16xf32>, vector<16xi1>
      %scan3A_200 = arith.constant 5 : i32
      %scan3A_201 = arith.addi %scan3A_144, %scan3A_200 : i32
      %mul3A_202 = arith.constant 16 : i32
      %mul3A_203 = arith.muli %scan3A_201, %mul3A_202 : i32
      %get3A_204 = arith.index_cast %mul3A_203 : i32 to index
      %get3A_205 = tpu.vector_load %arg4[%get3A_204] {strides = array<i32>} : memref<16384xi32, #tpu.memory_space<vmem>>, vector<16xi32>,
      %shift_right_logical3A_206 = arith.constant 15 : i32
      %shift_right_logical3A_207 = vector.broadcast %shift_right_logical3A_206 : i32 to vector<16xi32>
      %shift_right_logical3A_208 = arith.shrui %get3A_205, %shift_right_logical3A_207 : vector<16xi32>
      %ge3A_209 = arith.constant 0 : i32
      %ge3A_210 = vector.broadcast %ge3A_209 : i32 to vector<16xi32>
      %ge3A_211 = arith.cmpi sge, %get3A_205, %ge3A_210 : vector<16xi32>
      tpu.vector_store_idx %arg6[%shift_right_logical3A_208], %broadcast_in_dim3A_5 masked %ge3A_211 {add = true} : memref<65536xf32, #tpu.memory_space<vmem>>[vector<16xi32>], vector<16xf32>, vector<16xi1>
      %scan3A_212 = arith.constant 6 : i32
      %scan3A_213 = arith.addi %scan3A_144, %scan3A_212 : i32
      %mul3A_214 = arith.constant 16 : i32
      %mul3A_215 = arith.muli %scan3A_213, %mul3A_214 : i32
      %get3A_216 = arith.index_cast %mul3A_215 : i32 to index
      %get3A_217 = tpu.vector_load %arg4[%get3A_216] {strides = array<i32>} : memref<16384xi32, #tpu.memory_space<vmem>>, vector<16xi32>,
      %shift_right_logical3A_218 = arith.constant 15 : i32
      %shift_right_logical3A_219 = vector.broadcast %shift_right_logical3A_218 : i32 to vector<16xi32>
      %shift_right_logical3A_220 = arith.shrui %get3A_217, %shift_right_logical3A_219 : vector<16xi32>
      %ge3A_221 = arith.constant 0 : i32
      %ge3A_222 = vector.broadcast %ge3A_221 : i32 to vector<16xi32>
      %ge3A_223 = arith.cmpi sge, %get3A_217, %ge3A_222 : vector<16xi32>
      tpu.vector_store_idx %arg6[%shift_right_logical3A_220], %broadcast_in_dim3A_5 masked %ge3A_223 {add = true} : memref<65536xf32, #tpu.memory_space<vmem>>[vector<16xi32>], vector<16xf32>, vector<16xi1>
      %scan3A_224 = arith.constant 7 : i32
      %scan3A_225 = arith.addi %scan3A_144, %scan3A_224 : i32
      %mul3A_226 = arith.constant 16 : i32
      %mul3A_227 = arith.muli %scan3A_225, %mul3A_226 : i32
      %get3A_228 = arith.index_cast %mul3A_227 : i32 to index
      %get3A_229 = tpu.vector_load %arg4[%get3A_228] {strides = array<i32>} : memref<16384xi32, #tpu.memory_space<vmem>>, vector<16xi32>,
      %shift_right_logical3A_230 = arith.constant 15 : i32
      %shift_right_logical3A_231 = vector.broadcast %shift_right_logical3A_230 : i32 to vector<16xi32>
      %shift_right_logical3A_232 = arith.shrui %get3A_229, %shift_right_logical3A_231 : vector<16xi32>
      %ge3A_233 = arith.constant 0 : i32
      %ge3A_234 = vector.broadcast %ge3A_233 : i32 to vector<16xi32>
      %ge3A_235 = arith.cmpi sge, %get3A_229, %ge3A_234 : vector<16xi32>
      tpu.vector_store_idx %arg6[%shift_right_logical3A_232], %broadcast_in_dim3A_5 masked %ge3A_235 {add = true} : memref<65536xf32, #tpu.memory_space<vmem>>[vector<16xi32>], vector<16xf32>, vector<16xi1>
    }
    %scan3A_133 = arith.constant 1024 : i32
    %dma_wait3A_134 = arith.constant 1 : i32
    %dma_wait3A_135 = tpu.memref_slice %arg2[%add3A_118] : memref<4194304xi32, #tpu.memory_space<hbm>> -> memref<16384xi32, #tpu.memory_space<hbm>>
    %dma_wait3A_136 = tpu.memref_slice %arg7[%dma_wait3A_134] : memref<2x!tpu.dma_semaphore, #tpu.memory_space<semaphore_mem>> -> memref<1x!tpu.dma_semaphore, #tpu.memory_space<semaphore_mem>>
    %dma_wait3A_137 = tpu.memref_squeeze %dma_wait3A_136 : memref<1x!tpu.dma_semaphore, #tpu.memory_space<semaphore_mem>> -> memref<!tpu.dma_semaphore, #tpu.memory_space<semaphore_mem>>
    %dma_wait3A_138 = tpu.memref_slice %arg2[%add3A_118] : memref<4194304xi32, #tpu.memory_space<hbm>> -> memref<16384xi32, #tpu.memory_space<hbm>>
    tpu.wait_dma2 semaphore(%dma_wait3A_137 : memref<!tpu.dma_semaphore, #tpu.memory_space<semaphore_mem>>) src(%dma_wait3A_138 : memref<16384xi32, #tpu.memory_space<hbm>>) dst(%arg5 : memref<16384xi32, #tpu.memory_space<vmem>>)
    %scan3A_139 = arith.constant 0 : i32
    %scan3A_140 = arith.constant 1024 : i32
    %scan3A_141 = arith.addi %scan3A_139, %scan3A_140 : i32
    %scan3A_142 = arith.constant 8 : i32
    scf.for %scan3A_144 = %scan3A_139 to %scan3A_141 step %scan3A_142  : i32 {
      %mul3A_145 = arith.constant 16 : i32
      %mul3A_146 = arith.muli %scan3A_144, %mul3A_145 : i32
      %get3A = arith.index_cast %mul3A_146 : i32 to index
      %get3A_147 = tpu.vector_load %arg5[%get3A] {strides = array<i32>} : memref<16384xi32, #tpu.memory_space<vmem>>, vector<16xi32>,
      %shift_right_logical3A = arith.constant 15 : i32
      %shift_right_logical3A_148 = vector.broadcast %shift_right_logical3A : i32 to vector<16xi32>
      %shift_right_logical3A_149 = arith.shrui %get3A_147, %shift_right_logical3A_148 : vector<16xi32>
      %ge3A = arith.constant 0 : i32
      %ge3A_150 = vector.broadcast %ge3A : i32 to vector<16xi32>
      %ge3A_151 = arith.cmpi sge, %get3A_147, %ge3A_150 : vector<16xi32>
      tpu.vector_store_idx %arg6[%shift_right_logical3A_149], %broadcast_in_dim3A_5 masked %ge3A_151 {add = true} : memref<65536xf32, #tpu.memory_space<vmem>>[vector<16xi32>], vector<16xf32>, vector<16xi1>
      %scan3A_152 = arith.constant 1 : i32
      %scan3A_153 = arith.addi %scan3A_144, %scan3A_152 : i32
      %mul3A_154 = arith.constant 16 : i32
      %mul3A_155 = arith.muli %scan3A_153, %mul3A_154 : i32
      %get3A_156 = arith.index_cast %mul3A_155 : i32 to index
      %get3A_157 = tpu.vector_load %arg5[%get3A_156] {strides = array<i32>} : memref<16384xi32, #tpu.memory_space<vmem>>, vector<16xi32>,
      %shift_right_logical3A_158 = arith.constant 15 : i32
      %shift_right_logical3A_159 = vector.broadcast %shift_right_logical3A_158 : i32 to vector<16xi32>
      %shift_right_logical3A_160 = arith.shrui %get3A_157, %shift_right_logical3A_159 : vector<16xi32>
      %ge3A_161 = arith.constant 0 : i32
      %ge3A_162 = vector.broadcast %ge3A_161 : i32 to vector<16xi32>
      %ge3A_163 = arith.cmpi sge, %get3A_157, %ge3A_162 : vector<16xi32>
      tpu.vector_store_idx %arg6[%shift_right_logical3A_160], %broadcast_in_dim3A_5 masked %ge3A_163 {add = true} : memref<65536xf32, #tpu.memory_space<vmem>>[vector<16xi32>], vector<16xf32>, vector<16xi1>
      %scan3A_164 = arith.constant 2 : i32
      %scan3A_165 = arith.addi %scan3A_144, %scan3A_164 : i32
      %mul3A_166 = arith.constant 16 : i32
      %mul3A_167 = arith.muli %scan3A_165, %mul3A_166 : i32
      %get3A_168 = arith.index_cast %mul3A_167 : i32 to index
      %get3A_169 = tpu.vector_load %arg5[%get3A_168] {strides = array<i32>} : memref<16384xi32, #tpu.memory_space<vmem>>, vector<16xi32>,
      %shift_right_logical3A_170 = arith.constant 15 : i32
      %shift_right_logical3A_171 = vector.broadcast %shift_right_logical3A_170 : i32 to vector<16xi32>
      %shift_right_logical3A_172 = arith.shrui %get3A_169, %shift_right_logical3A_171 : vector<16xi32>
      %ge3A_173 = arith.constant 0 : i32
      %ge3A_174 = vector.broadcast %ge3A_173 : i32 to vector<16xi32>
      %ge3A_175 = arith.cmpi sge, %get3A_169, %ge3A_174 : vector<16xi32>
      tpu.vector_store_idx %arg6[%shift_right_logical3A_172], %broadcast_in_dim3A_5 masked %ge3A_175 {add = true} : memref<65536xf32, #tpu.memory_space<vmem>>[vector<16xi32>], vector<16xf32>, vector<16xi1>
      %scan3A_176 = arith.constant 3 : i32
      %scan3A_177 = arith.addi %scan3A_144, %scan3A_176 : i32
      %mul3A_178 = arith.constant 16 : i32
      %mul3A_179 = arith.muli %scan3A_177, %mul3A_178 : i32
      %get3A_180 = arith.index_cast %mul3A_179 : i32 to index
      %get3A_181 = tpu.vector_load %arg5[%get3A_180] {strides = array<i32>} : memref<16384xi32, #tpu.memory_space<vmem>>, vector<16xi32>,
      %shift_right_logical3A_182 = arith.constant 15 : i32
      %shift_right_logical3A_183 = vector.broadcast %shift_right_logical3A_182 : i32 to vector<16xi32>
      %shift_right_logical3A_184 = arith.shrui %get3A_181, %shift_right_logical3A_183 : vector<16xi32>
      %ge3A_185 = arith.constant 0 : i32
      %ge3A_186 = vector.broadcast %ge3A_185 : i32 to vector<16xi32>
      %ge3A_187 = arith.cmpi sge, %get3A_181, %ge3A_186 : vector<16xi32>
      tpu.vector_store_idx %arg6[%shift_right_logical3A_184], %broadcast_in_dim3A_5 masked %ge3A_187 {add = true} : memref<65536xf32, #tpu.memory_space<vmem>>[vector<16xi32>], vector<16xf32>, vector<16xi1>
      %scan3A_188 = arith.constant 4 : i32
      %scan3A_189 = arith.addi %scan3A_144, %scan3A_188 : i32
      %mul3A_190 = arith.constant 16 : i32
      %mul3A_191 = arith.muli %scan3A_189, %mul3A_190 : i32
      %get3A_192 = arith.index_cast %mul3A_191 : i32 to index
      %get3A_193 = tpu.vector_load %arg5[%get3A_192] {strides = array<i32>} : memref<16384xi32, #tpu.memory_space<vmem>>, vector<16xi32>,
      %shift_right_logical3A_194 = arith.constant 15 : i32
      %shift_right_logical3A_195 = vector.broadcast %shift_right_logical3A_194 : i32 to vector<16xi32>
      %shift_right_logical3A_196 = arith.shrui %get3A_193, %shift_right_logical3A_195 : vector<16xi32>
      %ge3A_197 = arith.constant 0 : i32
      %ge3A_198 = vector.broadcast %ge3A_197 : i32 to vector<16xi32>
      %ge3A_199 = arith.cmpi sge, %get3A_193, %ge3A_198 : vector<16xi32>
      tpu.vector_store_idx %arg6[%shift_right_logical3A_196], %broadcast_in_dim3A_5 masked %ge3A_199 {add = true} : memref<65536xf32, #tpu.memory_space<vmem>>[vector<16xi32>], vector<16xf32>, vector<16xi1>
      %scan3A_200 = arith.constant 5 : i32
      %scan3A_201 = arith.addi %scan3A_144, %scan3A_200 : i32
      %mul3A_202 = arith.constant 16 : i32
      %mul3A_203 = arith.muli %scan3A_201, %mul3A_202 : i32
      %get3A_204 = arith.index_cast %mul3A_203 : i32 to index
      %get3A_205 = tpu.vector_load %arg5[%get3A_204] {strides = array<i32>} : memref<16384xi32, #tpu.memory_space<vmem>>, vector<16xi32>,
      %shift_right_logical3A_206 = arith.constant 15 : i32
      %shift_right_logical3A_207 = vector.broadcast %shift_right_logical3A_206 : i32 to vector<16xi32>
      %shift_right_logical3A_208 = arith.shrui %get3A_205, %shift_right_logical3A_207 : vector<16xi32>
      %ge3A_209 = arith.constant 0 : i32
      %ge3A_210 = vector.broadcast %ge3A_209 : i32 to vector<16xi32>
      %ge3A_211 = arith.cmpi sge, %get3A_205, %ge3A_210 : vector<16xi32>
      tpu.vector_store_idx %arg6[%shift_right_logical3A_208], %broadcast_in_dim3A_5 masked %ge3A_211 {add = true} : memref<65536xf32, #tpu.memory_space<vmem>>[vector<16xi32>], vector<16xf32>, vector<16xi1>
      %scan3A_212 = arith.constant 6 : i32
      %scan3A_213 = arith.addi %scan3A_144, %scan3A_212 : i32
      %mul3A_214 = arith.constant 16 : i32
      %mul3A_215 = arith.muli %scan3A_213, %mul3A_214 : i32
      %get3A_216 = arith.index_cast %mul3A_215 : i32 to index
      %get3A_217 = tpu.vector_load %arg5[%get3A_216] {strides = array<i32>} : memref<16384xi32, #tpu.memory_space<vmem>>, vector<16xi32>,
      %shift_right_logical3A_218 = arith.constant 15 : i32
      %shift_right_logical3A_219 = vector.broadcast %shift_right_logical3A_218 : i32 to vector<16xi32>
      %shift_right_logical3A_220 = arith.shrui %get3A_217, %shift_right_logical3A_219 : vector<16xi32>
      %ge3A_221 = arith.constant 0 : i32
      %ge3A_222 = vector.broadcast %ge3A_221 : i32 to vector<16xi32>
      %ge3A_223 = arith.cmpi sge, %get3A_217, %ge3A_222 : vector<16xi32>
      tpu.vector_store_idx %arg6[%shift_right_logical3A_220], %broadcast_in_dim3A_5 masked %ge3A_223 {add = true} : memref<65536xf32, #tpu.memory_space<vmem>>[vector<16xi32>], vector<16xf32>, vector<16xi1>
      %scan3A_224 = arith.constant 7 : i32
      %scan3A_225 = arith.addi %scan3A_144, %scan3A_224 : i32
      %mul3A_226 = arith.constant 16 : i32
      %mul3A_227 = arith.muli %scan3A_225, %mul3A_226 : i32
      %get3A_228 = arith.index_cast %mul3A_227 : i32 to index
      %get3A_229 = tpu.vector_load %arg5[%get3A_228] {strides = array<i32>} : memref<16384xi32, #tpu.memory_space<vmem>>, vector<16xi32>,
      %shift_right_logical3A_230 = arith.constant 15 : i32
      %shift_right_logical3A_231 = vector.broadcast %shift_right_logical3A_230 : i32 to vector<16xi32>
      %shift_right_logical3A_232 = arith.shrui %get3A_229, %shift_right_logical3A_231 : vector<16xi32>
      %ge3A_233 = arith.constant 0 : i32
      %ge3A_234 = vector.broadcast %ge3A_233 : i32 to vector<16xi32>
      %ge3A_235 = arith.cmpi sge, %get3A_229, %ge3A_234 : vector<16xi32>
      tpu.vector_store_idx %arg6[%shift_right_logical3A_232], %broadcast_in_dim3A_5 masked %ge3A_235 {add = true} : memref<65536xf32, #tpu.memory_space<vmem>>[vector<16xi32>], vector<16xf32>, vector<16xi1>
    }
    %scan3A_143 = arith.constant 1024 : i32
    "tpu.region"() ({
      %run_scoped3A = tpu.sem_alloc : memref<!tpu.dma_semaphore, #tpu.memory_space<semaphore_mem>>
      %dma_start3A_144 = arith.constant 0 : i32
      %dma_start3A_145 = tpu.memref_slice %arg3[%add3A, %dma_start3A_144] : memref<32x65536xf32, #tpu.memory_space<hbm>> -> memref<1x65536xf32, #tpu.memory_space<hbm>>
      %dma_start3A_146 = tpu.memref_squeeze %dma_start3A_145 : memref<1x65536xf32, #tpu.memory_space<hbm>> -> memref<65536xf32, #tpu.memory_space<hbm>>
      %dma_start3A_147 = arith.constant 0 : i32
      %dma_start3A_148 = tpu.memref_slice %arg3[%add3A, %dma_start3A_147] : memref<32x65536xf32, #tpu.memory_space<hbm>> -> memref<1x65536xf32, #tpu.memory_space<hbm>>
      %dma_start3A_149 = tpu.memref_squeeze %dma_start3A_148 : memref<1x65536xf32, #tpu.memory_space<hbm>> -> memref<65536xf32, #tpu.memory_space<hbm>>
      tpu.enqueue_dma source(%arg6 : memref<65536xf32, #tpu.memory_space<vmem>>) target(%dma_start3A_149 : memref<65536xf32, #tpu.memory_space<hbm>>) target_semaphore(%run_scoped3A : memref<!tpu.dma_semaphore, #tpu.memory_space<semaphore_mem>>)
      %dma_wait3A_150 = arith.constant 0 : i32
      %dma_wait3A_151 = tpu.memref_slice %arg3[%add3A, %dma_wait3A_150] : memref<32x65536xf32, #tpu.memory_space<hbm>> -> memref<1x65536xf32, #tpu.memory_space<hbm>>
      %dma_wait3A_152 = tpu.memref_squeeze %dma_wait3A_151 : memref<1x65536xf32, #tpu.memory_space<hbm>> -> memref<65536xf32, #tpu.memory_space<hbm>>
      %dma_wait3A_153 = arith.constant 0 : i32
      %dma_wait3A_154 = tpu.memref_slice %arg3[%add3A, %dma_wait3A_153] : memref<32x65536xf32, #tpu.memory_space<hbm>> -> memref<1x65536xf32, #tpu.memory_space<hbm>>
      %dma_wait3A_155 = tpu.memref_squeeze %dma_wait3A_154 : memref<1x65536xf32, #tpu.memory_space<hbm>> -> memref<65536xf32, #tpu.memory_space<hbm>>
      tpu.wait_dma2 semaphore(%run_scoped3A : memref<!tpu.dma_semaphore, #tpu.memory_space<semaphore_mem>>) src(%arg6 : memref<65536xf32, #tpu.memory_space<vmem>>) dst(%dma_wait3A_155 : memref<65536xf32, #tpu.memory_space<hbm>>)
      tpu.yield
    }) : () -> ()
    return
  }
}

module attributes {stable_mosaic.version = 14 : i64} {
  func.func @_prep_body(%arg0: i32, %arg1: memref<8x32768xf32, #tpu.memory_space<vmem>>, %arg2: memref<8x32768xf32, #tpu.memory_space<vmem>>, %arg3: memref<8x32768xi32, #tpu.memory_space<vmem>>, %arg4: memref<8x32768xi32, #tpu.memory_space<vmem>>) attributes {dimension_semantics = [#tpu.dimension_semantics<arbitrary>], iteration_bounds = array<i64: 16>, scalar_prefetch = 0 : i64, scratch_operands = 0 : i64, tpu.core_type = #tpu.core_type<tc>, window_params = [{transform_indices = @transform_0, window_bounds = array<i64: 8, 32768>}, {transform_indices = @transform_1, window_bounds = array<i64: 8, 32768>}, {transform_indices = @transform_2, window_bounds = array<i64: 8, 32768>}, {transform_indices = @transform_3, window_bounds = array<i64: 8, 32768>}]} {
    %get3A = arith.constant 0 : index
    %get3A_0 = arith.constant 0 : index
    %get3A_1 = vector.load %arg1[%get3A, %get3A_0] : memref<8x32768xf32, #tpu.memory_space<vmem>>, vector<8x32768xf32>
    %get3A_2 = arith.constant 0 : index
    %get3A_3 = arith.constant 0 : index
    %get3A_4 = vector.load %arg2[%get3A_2, %get3A_3] : memref<8x32768xf32, #tpu.memory_space<vmem>>, vector<8x32768xf32>
    %sub3A = arith.subf %get3A_1, %get3A_4 : vector<8x32768xf32>
    %bitcast_convert_type3A = tpu.bitcast %sub3A : vector<8x32768xf32> -> vector<8x32768xi32>
    %and3A = arith.constant 2147483647 : i32
    %and3A_5 = vector.broadcast %and3A : i32 to vector<8x32768xi32>
    %and3A_6 = arith.andi %bitcast_convert_type3A, %and3A_5 : vector<8x32768xi32>
    %get3A_7 = arith.constant 0 : index
    %get3A_8 = arith.constant 0 : index
    %get3A_9 = vector.load %arg3[%get3A_7, %get3A_8] : memref<8x32768xi32, #tpu.memory_space<vmem>>, vector<8x32768xi32>
    %get3A_10 = arith.constant dense<0> : vector<8x32768xi32>
    %get3A_11 = arith.cmpi ne, %get3A_9, %get3A_10 : vector<8x32768xi32>
    %jit3A = arith.constant -1 : i32
    %broadcast_in_dim3A = vector.broadcast %jit3A : i32 to vector<8x32768xi32>
    %select_n3A = arith.select %get3A_11, %and3A_6, %broadcast_in_dim3A : vector<8x32768xi1>, vector<8x32768xi32>
    %swap3A = arith.constant 0 : index
    %swap3A_12 = arith.constant 0 : index
    %swap3A_13 = vector.load %arg4[%swap3A, %swap3A_12] : memref<8x32768xi32, #tpu.memory_space<vmem>>, vector<8x32768xi32>
    tpu.vector_store %arg4[%swap3A, %swap3A_12], %select_n3A {strides = array<i32>} : memref<8x32768xi32, #tpu.memory_space<vmem>>, vector<8x32768xi32>,
    return
  }
  func.func @transform_0(%arg0: i32) -> (i32, i32) {
    %c0_i32 = arith.constant 0 : i32
    %c0_i32_0 = arith.constant 0 : i32
    return %arg0, %c0_i32 : i32, i32
  }
  func.func @transform_1(%arg0: i32) -> (i32, i32) {
    %c0_i32 = arith.constant 0 : i32
    %c0_i32_0 = arith.constant 0 : i32
    return %arg0, %c0_i32 : i32, i32
  }
  func.func @transform_2(%arg0: i32) -> (i32, i32) {
    %c0_i32 = arith.constant 0 : i32
    %c0_i32_0 = arith.constant 0 : i32
    return %arg0, %c0_i32 : i32, i32
  }
  func.func @transform_3(%arg0: i32) -> (i32, i32) {
    %c0_i32 = arith.constant 0 : i32
    %c0_i32_0 = arith.constant 0 : i32
    return %arg0, %c0_i32 : i32, i32
  }
}

</mosaic_0001>

<sc_bundles>
// kernel: ohem_histo.3.cloned.1.call-start
scs
__scs_entry_jumppad:
0x0: {  	(pc) =	sbr.rel $0x88, $3  }
0x1: {  	(tag) =	ssettag $0x0;
	lr =	simm.s32 $0x1  }
0x2: {  	[smem:$0x3F9E] =	sst lr;
	_ =	strace $0xD0000000  }
0x3: {  	_ = 	snop  }
0x4: {  	_ = 	snop  }
0x5: {  	_ = 	snop  }
0x6: {  	_ = 	snop  }
0x7: {  	_ = 	snop  }
__scs_overlays_trampoline_lowered:
0x8: {  	[smem:$0x3FAD] =	sst s0  }
0x9: {  	[smem:$0x3FAE] =	sst s1  }
0xa: {  	[smem:$0x3FAF] =	sst s2  }
0xb: {  	[smem:$0x3FB0] =	sst s3  }
0xc: {  	[smem:$0x3FB1] =	sst s4  }
0xd: {  	[smem:$0x3FB2] =	sst s5  }
0xe: {  	[smem:$0x3FB3] =	sst s6  }
0xf: {  	[smem:$0x3FB4] =	sst s7  }
0x10: {  	[smem:$0x3FB5] =	sst s8  }
0x11: {  	[smem:$0x3FB6] =	sst s9;
	s0 =	simm.s32 @!p0 $0x0  }
0x12: {  	s1 =	sld [smem:$0x3F9C];
	s0 =	simm.s32 @p0 $0x1  }
0x13: {  	[smem:$0x3FB7] =	sst s0;
	s0 =	simm.s32 @!p1 $0x0  }
0x14: {  	s2 =	sld [smem:$0x3F9B];
	s0 =	simm.s32 @p1 $0x1  }
0x15: {  	[smem:$0x3FB8] =	sst s0;
	s0 =	simm.s32 @!p2 $0x0  }
0x16: {  	s3 =	sld [smem:$0x3FDB];
	s0 =	simm.s32 @p2 $0x1  }
0x17: {  	s4 =	simm.s32 $0x1BF5;
	[smem:$0x3FBA] =	sst s0  }
0x18: {  	s0 =	sld [smem:$0x3F9D];
	_ =	swait.ge [sflag:s4], $0x0  }
0x19: {  	s7 =	sld [smem:$0x3F9E]  }
0x1a: {  	s8 =	sadd.s32 $0xFFFFE003, lr  }
0x1b: {  	s9 =	sadd.s32 $0xFFFFFEF7, lr;
	s5 =	simm.s32 $0xFFFFFFFF;
	p2 =	slt.u32 s8, $0xFFFFF086  }
0x1c: {  	p1 =	slt.u32 s9, $0xF7A;
	s5 =	simm.s32 @!p2 $0x0  }
0x1d: {  	s5 =	simm.s32 @p1 $0x1;
	p0 =	seq.s32 s7, s2  }
0x1e: {  	s7 =	smul.u32 @!p0 $0xF7A, s2;
	p2 =	seq.s32 @!p0 s5, $0x0  }
0x1f: {  	s9 =	smul.u32 $0xF7A, s1;
	s8 =	simm.s32 @!p0 $0x1BF5;
	p2 =	por !p2, p0  }
0x20: {  	[sflag:s8] =	ssyncset.s32 @!p0 $0xFFFFF086;
	s6 =	sadd.s32 @!p0 s3, s7;
	s7 =	simm.s32 @!p0 $0x108  }
0x21: {  	s3 =	sadd.s32 s3, s9;
	s6 =	sadd.s32 @!p0 $0x88, s6;
	s7 =	simm.s32 @p2 $0x1082  }
0x22: {  	[simem:s7], [sflag:s8] =	dma.local @!p0 [hbm:s6], $0xF7A  }
0x23: {  	s9 =	sor.u32 $0xD0000000, s2;
	s6 =	simm.s32 $0x108;
	_ =	swait.ge @!p0 [sflag:s8], $0x0  }
0x24: {  	s3 =	sadd.s32 $0x88, s3;
	s6 =	simm.s32 @!p1 $0x1082;
	[sflag:s4] =	ssyncset.s32 $0xFFFFF086  }
0x25: {  	[simem:s6], [sflag:s4] =	dma.local [hbm:s3], $0xF7A  }
0x26: {  	[smem:$0x3F9E] =	sst s1;
	(tag) =	ssettag s2;
	_ =	strace s9  }
0x27: {  	s1 =	sld [smem:$0x3FAE]  }
0x28: {  	s2 =	sld [smem:$0x3FAF]  }
0x29: {  	s4 =	sld [smem:$0x3FB1]  }
0x2a: {  	p0 =	seq.s32 s5, $0x0;
	s5 =	sld [smem:$0x3FB2]  }
0x2b: {  	s6 =	sld [smem:$0x3FB3]  }
0x2c: {  	s7 =	sld [smem:$0x3FB4]  }
0x2d: {  	s3 =	simm.s32 $0x108;
	s8 =	sld [smem:$0x3FB5]  }
0x2e: {  	s3 =	simm.s32 @!p0 $0x1082;
	s9 =	sld [smem:$0x3FB6]  }
0x2f: {  	lr =	sadd.s32 s0, s3;
	s0 =	sld [smem:$0x3FAD]  }
0x30: {  	s3 =	sld [smem:$0x3FB0]  }
0x31: {  	[smem:$0x3FB9] =	sst s10  }
0x32: {  	s10 =	sld [smem:$0x3FB7];
	_ =	sdelay $0x3  }
0x33: {  	p0 =	seq.s32 s10, $0x1;
	s10 =	sld [smem:$0x3FB9];
	_ =	sdelay $0x3  }
0x34: {  	[smem:$0x3FB9] =	sst s10  }
0x35: {  	s10 =	sld [smem:$0x3FB8];
	_ =	sdelay $0x3  }
0x36: {  	p1 =	seq.s32 s10, $0x1;
	s10 =	sld [smem:$0x3FB9];
	_ =	sdelay $0x3  }
0x37: {  	[smem:$0x3FB9] =	sst s10  }
0x38: {  	s10 =	sld [smem:$0x3FBA]  }
0x39: {  	_ = 	snop;
	(pc) =	sbr.ind lr, $3  }
0x3a: {  	_ = 	snop  }
0x3b: {  	_ = 	snop  }
0x3c: {  	p2 =	seq.s32 s10, $0x1;
	s10 =	sld [smem:$0x3FB9]  }
0x3d: {  	_ =	shalt  }
0x3e: {  	_ =	shalt  }
0x3f: {  	_ =	shalt  }
0x40: {  	_ =	shalt  }
0x41: {  	_ =	shalt  }
0x42: {  	_ =	shalt  }
0x43: {  	_ =	shalt  }
0x44: {  	_ =	shalt  }
0x45: {  	_ =	shalt  }
0x46: {  	_ =	shalt  }
0x47: {  	_ =	shalt  }
0x48: {  	_ =	shalt  }
0x49: {  	_ =	shalt  }
0x4a: {  	_ =	shalt  }
0x4b: {  	_ =	shalt  }
0x4c: {  	_ =	shalt  }
0x4d: {  	_ =	shalt  }
0x4e: {  	_ =	shalt  }
0x4f: {  	_ =	shalt  }
0x50: {  	_ =	shalt  }
0x51: {  	_ =	shalt  }
0x52: {  	_ =	shalt  }
0x53: {  	_ =	shalt  }
0x54: {  	_ =	shalt  }
0x55: {  	_ =	shalt  }
0x56: {  	_ =	shalt  }
0x57: {  	_ =	shalt  }
0x58: {  	_ =	shalt  }
0x59: {  	_ =	shalt  }
0x5a: {  	_ =	shalt  }
0x5b: {  	_ =	shalt  }
0x5c: {  	_ =	shalt  }
0x5d: {  	_ =	shalt  }
0x5e: {  	_ =	shalt  }
0x5f: {  	_ =	shalt  }
0x60: {  	_ =	shalt  }
0x61: {  	_ =	shalt  }
0x62: {  	_ =	shalt  }
0x63: {  	_ =	shalt  }
0x64: {  	_ =	shalt  }
0x65: {  	_ =	shalt  }
0x66: {  	_ =	shalt  }
0x67: {  	_ =	shalt  }
0x68: {  	_ =	shalt  }
0x69: {  	_ =	shalt  }
0x6a: {  	_ =	shalt  }
0x6b: {  	_ =	shalt  }
0x6c: {  	_ =	shalt  }
0x6d: {  	_ =	shalt  }
0x6e: {  	_ =	shalt  }
0x6f: {  	_ =	shalt  }
0x70: {  	_ =	shalt  }
0x71: {  	_ =	shalt  }
0x72: {  	_ =	shalt  }
0x73: {  	_ =	shalt  }
0x74: {  	_ =	shalt  }
0x75: {  	_ =	shalt  }
0x76: {  	_ =	shalt  }
0x77: {  	_ =	shalt  }
0x78: {  	_ =	shalt  }
0x79: {  	_ =	shalt  }
0x7a: {  	_ =	shalt  }
0x7b: {  	_ =	shalt  }
0x7c: {  	_ =	shalt  }
0x7d: {  	_ =	shalt  }
0x7e: {  	_ =	shalt  }
0x7f: {  	_ =	shalt  }
0x80: {  	_ =	shalt  }
0x81: {  	_ =	shalt  }
0x82: {  	_ =	shalt  }
0x83: {  	_ =	shalt  }
0x84: {  	_ =	shalt  }
0x85: {  	_ =	shalt  }
0x86: {  	_ =	shalt  }
0x87: {  	_ =	shalt  }
.Lfunc_end0:
.L_simem_size_0:
called_computation_lowered:
.L_overlay_start_0:
0x88: {  	s2 =	sld [smem:$0x3FD9]  }
0x89: {  	s3 =	sld [smem:$0x3FFE];
	_ =	sdelay $0x1  }
0x8a: {  	s1 =	srdreg.scid  }
0x8b: {  	s0 =	sand.u32 $0x1, s1  }
0x8c: {  	s16 =	sshll.u32 s0, $0xA;
	s2 =	sadd.s32 s3, s2  }
0x8d: {  	s2 =	sadd.s32 s2, s16  }
0x8e: {  	[smem:$0x3FC5] =	sst s2  }
0x8f: {  	_ = 	snop  }
0x90: {  	(tm) =	ssettm $0x1  }
0x91: {  	s17 =	sld [smem:$0x3FFB];
	_ =	sdelay $0x3  }
0x92: {  	_ =	strace s17  }
0x93: {  	s2 =	sld [smem:$0x3FFC];
	_ =	sdelay $0x3  }
0x94: {  	_ =	strace s2  }
0x95: {  	s2 =	sld [smem:$0x3FFD];
	_ =	sdelay $0x3  }
0x96: {  	_ =	strace s2  }
0x97: {  	_ =	strace $0x8FFFFFFF  }
0x98: {  	s18 =	sld [smem:$0x3FDB];
	_ =	sdelay $0x1  }
0x99: {  	s19 =	simm.s32 $_scs_section_size  }
0x9a: {  	s4 =	simm.s32 $_size__tile_overlayer_lowered;
	s5 =	simm.s32 $_tile_overlayer_lowered  }
0x9b: {  	s22 =	simm.s32 $0x1BFF;
	s21 =	sshll.u32 s5, $0x1;
	s2 =	sadd.s32 s19, s18  }
0x9c: {  	s6 =	simm.s32 $0x0;
	s20 =	sshll.u32 s4, $0x1;
	s4 =	sadd.s32 s21, s2  }
0x9d: {  	[timem:s6], [sflag:s22] =	dma.local [hbm:s4], s20  }
0x9e: {  	_ =	swait.ge [sflag:s22], s20  }
0x9f: {  	s3 =	ssub.s32 $0x0, s20;
	[sflag:s22] =	ssyncset.done $0x0  }
0xa0: {  	[sflag:s22] =	ssyncadd.s32 s3;
	_ =	sdelay $0x1  }
0xa1: {  	s23 =	simm.s32 $0x1B8B  }
0xa2: {  	_ =	swait.ge [sflag:s23], $0x1  }
0xa3: {  	[sflag:s23] =	ssyncset.done $0x0  }
0xa4: {  	s25 =	simm.s32 $0x1B8E;
	s24 =	sld [smem:$0x3FFE];
	[sflag:s23] =	ssyncadd.s32 $0xFFFFFFFF  }
0xa5: {  	s26 =	simm.s32 $execute0_lowered;
	[smem:$0x3FD2] =	sst s25  }
0xa6: {  	s4 =	sshll.u32 s26, $0x1;
	_ =	strace $0x80000046;
	[dreg:$0x1] =	wrdreg $0xFFFFFFFF  }
0xa7: {  	s28 =	simm.s32 $_size_execute0_lowered;
	s2 =	sadd.s32 s2, s4;
	[dreg:$0x0] =	wrdreg $0x0  }
0xa8: {  	s4 =	sshll.u32 s28, $0x1;
	[dreg:$0x2] =	wrdreg s2  }
0xa9: {  	[dreg:$0x3] =	wrdreg s4  }
0xaa: {  	[dreg:$0x4] =	wrdreg $0xC0  }
0xab: {  	_ =	task [dreg:s6], $0x5FFFF  }
0xac: {  	[dreg:$0x1] =	wrdreg $0xFFFFFFFF  }
0xad: {  	[dreg:$0x0] =	wrdreg $0x60  }
0xae: {  	[dreg:$0x2] =	wrdreg s24  }
0xaf: {  	[dreg:$0x3] =	wrdreg $0x9  }
0xb0: {  	_ =	task.clear_ibuf [dreg:s6], $0x4FFFF;
	_ =	strace $0x90000046  }
0xb1: {  	s29 =	simm.s32 $0x9;
	_ =	strace $0x80000048  }
0xb2: {  	_ =	swait.ge [sflag:s29], $0x1  }
0xb3: {  	[sflag:s29] =	ssyncadd.s32 $0xFFFFFFFF  }
0xb4: {  	_ =	strace $0x90000048  }
0xb5: {  	_ =	sfence  }
0xb6: {  	s30 =	sld [smem:$0x0];
	_ =	sdelay $0x2  }
0xb7: {  	s31 =	sshll.u32 s1, $0xD;
	s1 =	sshrl.u32 s1, $0x2  }
0xb8: {  	s3 =	sand.u32 $0x4000, s31;
	s1 =	sadd.s32 s1, s30  }
0xb9: {  	s0 =	sor.u32 s3, s0;
	s1 =	sshll.u32 s1, $0x11  }
0xba: {  	s0 =	sor.u32 s1, s0  }
0xbb: {  	s0 =	sadd.s32 $0x8F2B, s0  }
0xbc: {  	[sflag:s0] =	ssyncadd.remote.s32 $0x1  }
0xbd: {  	_ =	sfence.sel $0xFFFF  }
0xbe: {  	[dreg:$0x0] =	wrdreg $0xFFFFFFFF;
	(pc) =	sbr.abs _section_cstart, $3  }
0xbf: {  	[dreg:$0x1] =	wrdreg $0xFFFFFFFF  }
0xc0: {  	_ =	task.clear_ibuf [dreg:s6], $0x2FFFF;
	_ =	strace $0x9FFFFFFF  }
0xc1: {  	(tm) =	ssettm $0x7FFFFFFF  }
tec
execute0_lowered:
.L_overlay_start_1:
0x0: {  	(tag) =	ssettag $0x1  }
0x1: {  	s3 =	rddreg [dreg:$0x0]  }
0x2: {  	s0 =	rddreg [dreg:$0x1]  }
0x3: {  	s2 =	simm.s32 $0x0;
	s1 =	stileid.u32;
	s4 =	srdreg.scid  }
0x4: {  	s13 =	simm.s32 $0x4000;
	s14 =	simm.s32 $0x1;
	s15 =	simm.s32 $0x8000  }
0x5: {  	s16 =	simm.s32 $0x2;
	s17 =	simm.s32 $0x80;
	s18 =	simm.s32 $0x400  }
0x6: {  	s19 =	simm.s32 $0x3;
	s20 =	simm.s32 $0x0;
	[smem:$0x7FF] =	sst s2  }
0x7: {  	s4 =	sand.u32 $0x1, s4;
	s5 =	sshll.u32 s1, $0x1;
	s6 =	sshll.u32 s1, $0xE  }
0x8: {  	_ =	strace $0x80000047;
	s5 =	sor.u32 s4, s5;
	s6 =	sand.u32 $0x30000, s6  }
0x9: {  	s4 =	ssub.s32 $0x2, s4;
	s7 =	sshll.u32 s5, $0xE;
	s9 =	sadd.s32 s6, s3  }
0xa: {  	s30 =	sshrl.u32 s4, $0x1;
	s31 =	sshll.u32 s5, $0x4;
	s3 =	sadd.s32 s3, s7  }
0xb: {  	s12 =	ssub.s32 s4, s30;
	s10 =	sand.u32 $0x70, s31;
	s4 =	sadd.s32 $0x800, s3  }
0xc: {  	s5 =	sadd.s32 $0x1000, s3;
	s6 =	sadd.s32 $0x1800, s3;
	s7 =	sadd.s32 $0x2000, s3  }
0xd: {  	s8 =	sadd.s32 $0x2800, s3;
	s11 =	sadd.s32 s10, s9;
	s9 =	sadd.s32 $0x3000, s3  }
0xe: {  	v0 =	vimm.f32 $0.0e+00;
	v1 =	vimm.f32 $1.000000000e+00;
	s10 =	sadd.s32 $0x3800, s3;
	s12 =	smax.u32 s12, $0x1;
	s11 =	sadd.s32 $0x80000, s11  }
.LBB2_1:
0xf: {  	s21 =	simm.s32 $0x8040  }
0x10: {  	[tilespmem:s21+$0xFFFFFFC0] =	vst v0  }
0x11: {  	[tilespmem:s21+$0x30] =	vst v0  }
0x12: {  	[tilespmem:s21+$0x20] =	vst v0  }
0x13: {  	[tilespmem:s21+$0x10] =	vst v0  }
0x14: {  	[tilespmem:s21+$0x0] =	vst v0  }
0x15: {  	[tilespmem:s21+$0xFFFFFFF0] =	vst v0  }
0x16: {  	s22 =	simm.s32 $0x0;
	[tilespmem:s21+$0xFFFFFFE0] =	vst v0  }
.LBB2_2:
0x17: {  	s22 =	sadd.s32 $0x8, s22;
	[tilespmem:s21+$0xFFFFFFD0] =	vst v0;
	s21 =	sadd.s32 $0x80, s21  }
0x18: {  	[tilespmem:s21+$0xFFFFFFC0] =	vst v0;
	p0 =	slt.u32 s22, $0xFF8  }
0x19: {  	[tilespmem:s21+$0x30] =	vst v0  }
.Ltmp0:
0x1a: {  	[tilespmem:s21+$0x20] =	vst v0;
	(pc) =	sbr.rel @p0 .LBB2_2-.Ltmp0, $4  }
0x1b: {  	[tilespmem:s21+$0x10] =	vst v0  }
0x1c: {  	[tilespmem:s21+$0x0] =	vst v0  }
0x1d: {  	[tilespmem:s21+$0xFFFFFFF0] =	vst v0  }
0x1e: {  	[tilespmem:s21+$0xFFFFFFE0] =	vst v0  }
0x1f: {  	[tilespmem:s21+$0xFFFFFFD0] =	vst v0  }
0x20: {  	[tilespmem:s2], [sflag:$0x1] =	stream.linear.gather [hbm4b:s3+s2], $0x4000, $0x38;
	[tilespmem:$0x18000] =	vst v63  }
0x21: {  	_ = 	snop  }
0x22: {  	[tilespmem:s13], [sflag:$0x2] =	stream.linear.gather [hbm4b:s4+s2], $0x4000, $0x38;
	[tilespmem:$0x18000] =	vst v63  }
0x23: {  	_ =	swait.ge [sflag:s14], $0x4000  }
0x24: {  	[sflag:s14] =	ssyncset.done $0x0  }
0x25: {  	s21 =	simm.s32 $0xFFFFFFF8;
	s22 =	simm.s32 $0x40;
	[sflag:s14] =	ssyncadd.s32 $0xFFFFC000  }
.LBB2_4:
0x26: {  	v2 =	vld [tilespmem:s22+$0xFFFFFFC0];
	_ =	sdelay $0x4  }
0x27: {  	vm0 =	vgt.s32 v2, $0xFFFFFFFF  }
0x28: {  	v2 =	vshrl.u32 v2, $0xF;
	_ =	sdelay $0x4  }
0x29: {  	[tilespmem:v2+s15+$0x0] =	vst.idx.add.f32.msk vm0, v1  }
0x2a: {  	v2 =	vld [tilespmem:s22+$0xFFFFFFD0];
	_ =	sdelay $0x4  }
0x2b: {  	vm9 =	vgt.s32 v2, $0xFFFFFFFF  }
0x2c: {  	v2 =	vshrl.u32 v2, $0xF;
	_ =	sdelay $0x4  }
0x2d: {  	[tilespmem:v2+s15+$0x0] =	vst.idx.add.f32.msk vm9, v1  }
0x2e: {  	v2 =	vld [tilespmem:s22+$0xFFFFFFE0];
	_ =	sdelay $0x4  }
0x2f: {  	vm10 =	vgt.s32 v2, $0xFFFFFFFF  }
0x30: {  	v2 =	vshrl.u32 v2, $0xF;
	_ =	sdelay $0x4  }
0x31: {  	[tilespmem:v2+s15+$0x0] =	vst.idx.add.f32.msk vm10, v1  }
0x32: {  	v2 =	vld [tilespmem:s22+$0xFFFFFFF0];
	_ =	sdelay $0x4  }
0x33: {  	vm11 =	vgt.s32 v2, $0xFFFFFFFF  }
0x34: {  	v2 =	vshrl.u32 v2, $0xF;
	_ =	sdelay $0x4  }
0x35: {  	[tilespmem:v2+s15+$0x0] =	vst.idx.add.f32.msk vm11, v1  }
0x36: {  	v2 =	vld [tilespmem:s22+$0x0];
	_ =	sdelay $0x4  }
0x37: {  	vm12 =	vgt.s32 v2, $0xFFFFFFFF  }
0x38: {  	v2 =	vshrl.u32 v2, $0xF;
	_ =	sdelay $0x4  }
0x39: {  	[tilespmem:v2+s15+$0x0] =	vst.idx.add.f32.msk vm12, v1  }
0x3a: {  	v2 =	vld [tilespmem:s22+$0x10];
	_ =	sdelay $0x4  }
0x3b: {  	vm13 =	vgt.s32 v2, $0xFFFFFFFF  }
0x3c: {  	v2 =	vshrl.u32 v2, $0xF;
	_ =	sdelay $0x4  }
0x3d: {  	[tilespmem:v2+s15+$0x0] =	vst.idx.add.f32.msk vm13, v1  }
0x3e: {  	v2 =	vld [tilespmem:s22+$0x20];
	_ =	sdelay $0x4  }
0x3f: {  	vm14 =	vgt.s32 v2, $0xFFFFFFFF  }
0x40: {  	v2 =	vshrl.u32 v2, $0xF;
	_ =	sdelay $0x4  }
0x41: {  	[tilespmem:v2+s15+$0x0] =	vst.idx.add.f32.msk vm14, v1  }
0x42: {  	v2 =	vld [tilespmem:s22+$0x30];
	_ =	sdelay $0x4  }
0x43: {  	s21 =	sadd.s32 $0x8, s21;
	vm15 =	vgt.s32 v2, $0xFFFFFFFF  }
0x44: {  	p0 =	slt.u32 s21, $0x3F8;
	v2 =	vshrl.u32 v2, $0xF  }
.Ltmp1:
0x45: {  	_ = 	snop;
	(pc) =	sbr.rel @p0 .LBB2_4-.Ltmp1, $2  }
0x46: {  	_ =	sdelay $0x2  }
0x47: {  	s22 =	sadd.s32 $0x80, s22;
	[tilespmem:v2+s15+$0x0] =	vst.idx.add.f32.msk vm15, v1  }
0x48: {  	[tilespmem:s2], [sflag:$0x1] =	stream.linear.gather [hbm4b:s5+s2], $0x4000, $0x38;
	[tilespmem:$0x18000] =	vst v63  }
0x49: {  	_ =	swait.ge [sflag:s16], $0x4000  }
0x4a: {  	[sflag:s16] =	ssyncset.done $0x0  }
0x4b: {  	s21 =	simm.s32 $0xFFFFFFF8;
	s22 =	simm.s32 $0x4040;
	[sflag:s16] =	ssyncadd.s32 $0xFFFFC000  }
.LBB2_6:
0x4c: {  	v2 =	vld [tilespmem:s22+$0xFFFFFFC0];
	_ =	sdelay $0x4  }
0x4d: {  	vm0 =	vgt.s32 v2, $0xFFFFFFFF  }
0x4e: {  	v2 =	vshrl.u32 v2, $0xF;
	_ =	sdelay $0x4  }
0x4f: {  	[tilespmem:v2+s15+$0x0] =	vst.idx.add.f32.msk vm0, v1  }
0x50: {  	v2 =	vld [tilespmem:s22+$0xFFFFFFD0];
	_ =	sdelay $0x4  }
0x51: {  	vm9 =	vgt.s32 v2, $0xFFFFFFFF  }
0x52: {  	v2 =	vshrl.u32 v2, $0xF;
	_ =	sdelay $0x4  }
0x53: {  	[tilespmem:v2+s15+$0x0] =	vst.idx.add.f32.msk vm9, v1  }
0x54: {  	v2 =	vld [tilespmem:s22+$0xFFFFFFE0];
	_ =	sdelay $0x4  }
0x55: {  	vm10 =	vgt.s32 v2, $0xFFFFFFFF  }
0x56: {  	v2 =	vshrl.u32 v2, $0xF;
	_ =	sdelay $0x4  }
0x57: {  	[tilespmem:v2+s15+$0x0] =	vst.idx.add.f32.msk vm10, v1  }
0x58: {  	v2 =	vld [tilespmem:s22+$0xFFFFFFF0];
	_ =	sdelay $0x4  }
0x59: {  	vm11 =	vgt.s32 v2, $0xFFFFFFFF  }
0x5a: {  	v2 =	vshrl.u32 v2, $0xF;
	_ =	sdelay $0x4  }
0x5b: {  	[tilespmem:v2+s15+$0x0] =	vst.idx.add.f32.msk vm11, v1  }
0x5c: {  	v2 =	vld [tilespmem:s22+$0x0];
	_ =	sdelay $0x4  }
0x5d: {  	vm12 =	vgt.s32 v2, $0xFFFFFFFF  }
0x5e: {  	v2 =	vshrl.u32 v2, $0xF;
	_ =	sdelay $0x4  }
0x5f: {  	[tilespmem:v2+s15+$0x0] =	vst.idx.add.f32.msk vm12, v1  }
0x60: {  	v2 =	vld [tilespmem:s22+$0x10];
	_ =	sdelay $0x4  }
0x61: {  	vm13 =	vgt.s32 v2, $0xFFFFFFFF  }
0x62: {  	v2 =	vshrl.u32 v2, $0xF;
	_ =	sdelay $0x4  }
0x63: {  	[tilespmem:v2+s15+$0x0] =	vst.idx.add.f32.msk vm13, v1  }
0x64: {  	v2 =	vld [tilespmem:s22+$0x20];
	_ =	sdelay $0x4  }
0x65: {  	vm14 =	vgt.s32 v2, $0xFFFFFFFF  }
0x66: {  	v2 =	vshrl.u32 v2, $0xF;
	_ =	sdelay $0x4  }
0x67: {  	[tilespmem:v2+s15+$0x0] =	vst.idx.add.f32.msk vm14, v1  }
0x68: {  	v2 =	vld [tilespmem:s22+$0x30];
	_ =	sdelay $0x4  }
0x69: {  	s21 =	sadd.s32 $0x8, s21;
	vm15 =	vgt.s32 v2, $0xFFFFFFFF  }
0x6a: {  	p0 =	slt.u32 s21, $0x3F8;
	v2 =	vshrl.u32 v2, $0xF  }
.Ltmp2:
0x6b: {  	_ = 	snop;
	(pc) =	sbr.rel @p0 .LBB2_6-.Ltmp2, $2  }
0x6c: {  	_ =	sdelay $0x2  }
0x6d: {  	s22 =	sadd.s32 $0x80, s22;
	[tilespmem:v2+s15+$0x0] =	vst.idx.add.f32.msk vm15, v1  }
0x6e: {  	[tilespmem:s13], [sflag:$0x2] =	stream.linear.gather [hbm4b:s6+s2], $0x4000, $0x38;
	[tilespmem:$0x18000] =	vst v63  }
0x6f: {  	_ =	swait.ge [sflag:s14], $0x4000  }
0x70: {  	[sflag:s14] =	ssyncset.done $0x0  }
0x71: {  	s21 =	simm.s32 $0xFFFFFFF8;
	s22 =	simm.s32 $0x40;
	[sflag:s14] =	ssyncadd.s32 $0xFFFFC000  }
.LBB2_8:
0x72: {  	v2 =	vld [tilespmem:s22+$0xFFFFFFC0];
	_ =	sdelay $0x4  }
0x73: {  	vm0 =	vgt.s32 v2, $0xFFFFFFFF  }
0x74: {  	v2 =	vshrl.u32 v2, $0xF;
	_ =	sdelay $0x4  }
0x75: {  	[tilespmem:v2+s15+$0x0] =	vst.idx.add.f32.msk vm0, v1  }
0x76: {  	v2 =	vld [tilespmem:s22+$0xFFFFFFD0];
	_ =	sdelay $0x4  }
0x77: {  	vm9 =	vgt.s32 v2, $0xFFFFFFFF  }
0x78: {  	v2 =	vshrl.u32 v2, $0xF;
	_ =	sdelay $0x4  }
0x79: {  	[tilespmem:v2+s15+$0x0] =	vst.idx.add.f32.msk vm9, v1  }
0x7a: {  	v2 =	vld [tilespmem:s22+$0xFFFFFFE0];
	_ =	sdelay $0x4  }
0x7b: {  	vm10 =	vgt.s32 v2, $0xFFFFFFFF  }
0x7c: {  	v2 =	vshrl.u32 v2, $0xF;
	_ =	sdelay $0x4  }
0x7d: {  	[tilespmem:v2+s15+$0x0] =	vst.idx.add.f32.msk vm10, v1  }
0x7e: {  	v2 =	vld [tilespmem:s22+$0xFFFFFFF0];
	_ =	sdelay $0x4  }
0x7f: {  	vm11 =	vgt.s32 v2, $0xFFFFFFFF  }
0x80: {  	v2 =	vshrl.u32 v2, $0xF;
	_ =	sdelay $0x4  }
0x81: {  	[tilespmem:v2+s15+$0x0] =	vst.idx.add.f32.msk vm11, v1  }
0x82: {  	v2 =	vld [tilespmem:s22+$0x0];
	_ =	sdelay $0x4  }
0x83: {  	vm12 =	vgt.s32 v2, $0xFFFFFFFF  }
0x84: {  	v2 =	vshrl.u32 v2, $0xF;
	_ =	sdelay $0x4  }
0x85: {  	[tilespmem:v2+s15+$0x0] =	vst.idx.add.f32.msk vm12, v1  }
0x86: {  	v2 =	vld [tilespmem:s22+$0x10];
	_ =	sdelay $0x4  }
0x87: {  	vm13 =	vgt.s32 v2, $0xFFFFFFFF  }
0x88: {  	v2 =	vshrl.u32 v2, $0xF;
	_ =	sdelay $0x4  }
0x89: {  	[tilespmem:v2+s15+$0x0] =	vst.idx.add.f32.msk vm13, v1  }
0x8a: {  	v2 =	vld [tilespmem:s22+$0x20];
	_ =	sdelay $0x4  }
0x8b: {  	vm14 =	vgt.s32 v2, $0xFFFFFFFF  }
0x8c: {  	v2 =	vshrl.u32 v2, $0xF;
	_ =	sdelay $0x4  }
0x8d: {  	[tilespmem:v2+s15+$0x0] =	vst.idx.add.f32.msk vm14, v1  }
0x8e: {  	v2 =	vld [tilespmem:s22+$0x30];
	_ =	sdelay $0x4  }
0x8f: {  	s21 =	sadd.s32 $0x8, s21;
	vm15 =	vgt.s32 v2, $0xFFFFFFFF  }
0x90: {  	p0 =	slt.u32 s21, $0x3F8;
	v2 =	vshrl.u32 v2, $0xF  }
.Ltmp3:
0x91: {  	_ = 	snop;
	(pc) =	sbr.rel @p0 .LBB2_8-.Ltmp3, $2  }
0x92: {  	_ =	sdelay $0x2  }
0x93: {  	s22 =	sadd.s32 $0x80, s22;
	[tilespmem:v2+s15+$0x0] =	vst.idx.add.f32.msk vm15, v1  }
0x94: {  	[tilespmem:s2], [sflag:$0x1] =	stream.linear.gather [hbm4b:s7+s2], $0x4000, $0x38;
	[tilespmem:$0x18000] =	vst v63  }
0x95: {  	_ =	swait.ge [sflag:s16], $0x4000  }
0x96: {  	[sflag:s16] =	ssyncset.done $0x0  }
0x97: {  	s21 =	simm.s32 $0xFFFFFFF8;
	s22 =	simm.s32 $0x4040;
	[sflag:s16] =	ssyncadd.s32 $0xFFFFC000  }
.LBB2_10:
0x98: {  	v2 =	vld [tilespmem:s22+$0xFFFFFFC0];
	_ =	sdelay $0x4  }
0x99: {  	vm0 =	vgt.s32 v2, $0xFFFFFFFF  }
0x9a: {  	v2 =	vshrl.u32 v2, $0xF;
	_ =	sdelay $0x4  }
0x9b: {  	[tilespmem:v2+s15+$0x0] =	vst.idx.add.f32.msk vm0, v1  }
0x9c: {  	v2 =	vld [tilespmem:s22+$0xFFFFFFD0];
	_ =	sdelay $0x4  }
0x9d: {  	vm9 =	vgt.s32 v2, $0xFFFFFFFF  }
0x9e: {  	v2 =	vshrl.u32 v2, $0xF;
	_ =	sdelay $0x4  }
0x9f: {  	[tilespmem:v2+s15+$0x0] =	vst.idx.add.f32.msk vm9, v1  }
0xa0: {  	v2 =	vld [tilespmem:s22+$0xFFFFFFE0];
	_ =	sdelay $0x4  }
0xa1: {  	vm10 =	vgt.s32 v2, $0xFFFFFFFF  }
0xa2: {  	v2 =	vshrl.u32 v2, $0xF;
	_ =	sdelay $0x4  }
0xa3: {  	[tilespmem:v2+s15+$0x0] =	vst.idx.add.f32.msk vm10, v1  }
0xa4: {  	v2 =	vld [tilespmem:s22+$0xFFFFFFF0];
	_ =	sdelay $0x4  }
0xa5: {  	vm11 =	vgt.s32 v2, $0xFFFFFFFF  }
0xa6: {  	v2 =	vshrl.u32 v2, $0xF;
	_ =	sdelay $0x4  }
0xa7: {  	[tilespmem:v2+s15+$0x0] =	vst.idx.add.f32.msk vm11, v1  }
0xa8: {  	v2 =	vld [tilespmem:s22+$0x0];
	_ =	sdelay $0x4  }
0xa9: {  	vm12 =	vgt.s32 v2, $0xFFFFFFFF  }
0xaa: {  	v2 =	vshrl.u32 v2, $0xF;
	_ =	sdelay $0x4  }
0xab: {  	[tilespmem:v2+s15+$0x0] =	vst.idx.add.f32.msk vm12, v1  }
0xac: {  	v2 =	vld [tilespmem:s22+$0x10];
	_ =	sdelay $0x4  }
0xad: {  	vm13 =	vgt.s32 v2, $0xFFFFFFFF  }
0xae: {  	v2 =	vshrl.u32 v2, $0xF;
	_ =	sdelay $0x4  }
0xaf: {  	[tilespmem:v2+s15+$0x0] =	vst.idx.add.f32.msk vm13, v1  }
0xb0: {  	v2 =	vld [tilespmem:s22+$0x20];
	_ =	sdelay $0x4  }
0xb1: {  	vm14 =	vgt.s32 v2, $0xFFFFFFFF  }
0xb2: {  	v2 =	vshrl.u32 v2, $0xF;
	_ =	sdelay $0x4  }
0xb3: {  	[tilespmem:v2+s15+$0x0] =	vst.idx.add.f32.msk vm14, v1  }
0xb4: {  	v2 =	vld [tilespmem:s22+$0x30];
	_ =	sdelay $0x4  }
0xb5: {  	s21 =	sadd.s32 $0x8, s21;
	vm15 =	vgt.s32 v2, $0xFFFFFFFF  }
0xb6: {  	p0 =	slt.u32 s21, $0x3F8;
	v2 =	vshrl.u32 v2, $0xF  }
.Ltmp4:
0xb7: {  	_ = 	snop;
	(pc) =	sbr.rel @p0 .LBB2_10-.Ltmp4, $2  }
0xb8: {  	_ =	sdelay $0x2  }
0xb9: {  	s22 =	sadd.s32 $0x80, s22;
	[tilespmem:v2+s15+$0x0] =	vst.idx.add.f32.msk vm15, v1  }
0xba: {  	[tilespmem:s13], [sflag:$0x2] =	stream.linear.gather [hbm4b:s8+s2], $0x4000, $0x38;
	[tilespmem:$0x18000] =	vst v63  }
0xbb: {  	_ =	swait.ge [sflag:s14], $0x4000  }
0xbc: {  	[sflag:s14] =	ssyncset.done $0x0  }
0xbd: {  	s21 =	simm.s32 $0xFFFFFFF8;
	s22 =	simm.s32 $0x40;
	[sflag:s14] =	ssyncadd.s32 $0xFFFFC000  }
.LBB2_12:
0xbe: {  	v2 =	vld [tilespmem:s22+$0xFFFFFFC0];
	_ =	sdelay $0x4  }
0xbf: {  	vm0 =	vgt.s32 v2, $0xFFFFFFFF  }
0xc0: {  	v2 =	vshrl.u32 v2, $0xF;
	_ =	sdelay $0x4  }
0xc1: {  	[tilespmem:v2+s15+$0x0] =	vst.idx.add.f32.msk vm0, v1  }
0xc2: {  	v2 =	vld [tilespmem:s22+$0xFFFFFFD0];
	_ =	sdelay $0x4  }
0xc3: {  	vm9 =	vgt.s32 v2, $0xFFFFFFFF  }
0xc4: {  	v2 =	vshrl.u32 v2, $0xF;
	_ =	sdelay $0x4  }
0xc5: {  	[tilespmem:v2+s15+$0x0] =	vst.idx.add.f32.msk vm9, v1  }
0xc6: {  	v2 =	vld [tilespmem:s22+$0xFFFFFFE0];
	_ =	sdelay $0x4  }
0xc7: {  	vm10 =	vgt.s32 v2, $0xFFFFFFFF  }
0xc8: {  	v2 =	vshrl.u32 v2, $0xF;
	_ =	sdelay $0x4  }
0xc9: {  	[tilespmem:v2+s15+$0x0] =	vst.idx.add.f32.msk vm10, v1  }
0xca: {  	v2 =	vld [tilespmem:s22+$0xFFFFFFF0];
	_ =	sdelay $0x4  }
0xcb: {  	vm11 =	vgt.s32 v2, $0xFFFFFFFF  }
0xcc: {  	v2 =	vshrl.u32 v2, $0xF;
	_ =	sdelay $0x4  }
0xcd: {  	[tilespmem:v2+s15+$0x0] =	vst.idx.add.f32.msk vm11, v1  }
0xce: {  	v2 =	vld [tilespmem:s22+$0x0];
	_ =	sdelay $0x4  }
0xcf: {  	vm12 =	vgt.s32 v2, $0xFFFFFFFF  }
0xd0: {  	v2 =	vshrl.u32 v2, $0xF;
	_ =	sdelay $0x4  }
0xd1: {  	[tilespmem:v2+s15+$0x0] =	vst.idx.add.f32.msk vm12, v1  }
0xd2: {  	v2 =	vld [tilespmem:s22+$0x10];
	_ =	sdelay $0x4  }
0xd3: {  	vm13 =	vgt.s32 v2, $0xFFFFFFFF  }
0xd4: {  	v2 =	vshrl.u32 v2, $0xF;
	_ =	sdelay $0x4  }
0xd5: {  	[tilespmem:v2+s15+$0x0] =	vst.idx.add.f32.msk vm13, v1  }
0xd6: {  	v2 =	vld [tilespmem:s22+$0x20];
	_ =	sdelay $0x4  }
0xd7: {  	vm14 =	vgt.s32 v2, $0xFFFFFFFF  }
0xd8: {  	v2 =	vshrl.u32 v2, $0xF;
	_ =	sdelay $0x4  }
0xd9: {  	[tilespmem:v2+s15+$0x0] =	vst.idx.add.f32.msk vm14, v1  }
0xda: {  	v2 =	vld [tilespmem:s22+$0x30];
	_ =	sdelay $0x4  }
0xdb: {  	s21 =	sadd.s32 $0x8, s21;
	vm15 =	vgt.s32 v2, $0xFFFFFFFF  }
0xdc: {  	p0 =	slt.u32 s21, $0x3F8;
	v2 =	vshrl.u32 v2, $0xF  }
.Ltmp5:
0xdd: {  	_ = 	snop;
	(pc) =	sbr.rel @p0 .LBB2_12-.Ltmp5, $2  }
0xde: {  	_ =	sdelay $0x2  }
0xdf: {  	s22 =	sadd.s32 $0x80, s22;
	[tilespmem:v2+s15+$0x0] =	vst.idx.add.f32.msk vm15, v1  }
0xe0: {  	[tilespmem:s2], [sflag:$0x1] =	stream.linear.gather [hbm4b:s9+s2], $0x4000, $0x38;
	[tilespmem:$0x18000] =	vst v63  }
0xe1: {  	_ =	swait.ge [sflag:s16], $0x4000  }
0xe2: {  	[sflag:s16] =	ssyncset.done $0x0  }
0xe3: {  	s21 =	simm.s32 $0xFFFFFFF8;
	s22 =	simm.s32 $0x4040;
	[sflag:s16] =	ssyncadd.s32 $0xFFFFC000  }
.LBB2_14:
0xe4: {  	v2 =	vld [tilespmem:s22+$0xFFFFFFC0];
	_ =	sdelay $0x4  }
0xe5: {  	vm0 =	vgt.s32 v2, $0xFFFFFFFF  }
0xe6: {  	v2 =	vshrl.u32 v2, $0xF;
	_ =	sdelay $0x4  }
0xe7: {  	[tilespmem:v2+s15+$0x0] =	vst.idx.add.f32.msk vm0, v1  }
0xe8: {  	v2 =	vld [tilespmem:s22+$0xFFFFFFD0];
	_ =	sdelay $0x4  }
0xe9: {  	vm9 =	vgt.s32 v2, $0xFFFFFFFF  }
0xea: {  	v2 =	vshrl.u32 v2, $0xF;
	_ =	sdelay $0x4  }
0xeb: {  	[tilespmem:v2+s15+$0x0] =	vst.idx.add.f32.msk vm9, v1  }
0xec: {  	v2 =	vld [tilespmem:s22+$0xFFFFFFE0];
	_ =	sdelay $0x4  }
0xed: {  	vm10 =	vgt.s32 v2, $0xFFFFFFFF  }
0xee: {  	v2 =	vshrl.u32 v2, $0xF;
	_ =	sdelay $0x4  }
0xef: {  	[tilespmem:v2+s15+$0x0] =	vst.idx.add.f32.msk vm10, v1  }
0xf0: {  	v2 =	vld [tilespmem:s22+$0xFFFFFFF0];
	_ =	sdelay $0x4  }
0xf1: {  	vm11 =	vgt.s32 v2, $0xFFFFFFFF  }
0xf2: {  	v2 =	vshrl.u32 v2, $0xF;
	_ =	sdelay $0x4  }
0xf3: {  	[tilespmem:v2+s15+$0x0] =	vst.idx.add.f32.msk vm11, v1  }
0xf4: {  	v2 =	vld [tilespmem:s22+$0x0];
	_ =	sdelay $0x4  }
0xf5: {  	vm12 =	vgt.s32 v2, $0xFFFFFFFF  }
0xf6: {  	v2 =	vshrl.u32 v2, $0xF;
	_ =	sdelay $0x4  }
0xf7: {  	[tilespmem:v2+s15+$0x0] =	vst.idx.add.f32.msk vm12, v1  }
0xf8: {  	v2 =	vld [tilespmem:s22+$0x10];
	_ =	sdelay $0x4  }
0xf9: {  	vm13 =	vgt.s32 v2, $0xFFFFFFFF  }
0xfa: {  	v2 =	vshrl.u32 v2, $0xF;
	_ =	sdelay $0x4  }
0xfb: {  	[tilespmem:v2+s15+$0x0] =	vst.idx.add.f32.msk vm13, v1  }
0xfc: {  	v2 =	vld [tilespmem:s22+$0x20];
	_ =	sdelay $0x4  }
0xfd: {  	vm14 =	vgt.s32 v2, $0xFFFFFFFF  }
0xfe: {  	v2 =	vshrl.u32 v2, $0xF;
	_ =	sdelay $0x4  }
0xff: {  	[tilespmem:v2+s15+$0x0] =	vst.idx.add.f32.msk vm14, v1  }
0x100: {  	v2 =	vld [tilespmem:s22+$0x30];
	_ =	sdelay $0x4  }
0x101: {  	s21 =	sadd.s32 $0x8, s21;
	vm15 =	vgt.s32 v2, $0xFFFFFFFF  }
0x102: {  	p0 =	slt.u32 s21, $0x3F8;
	v2 =	vshrl.u32 v2, $0xF  }
.Ltmp6:
0x103: {  	_ = 	snop;
	(pc) =	sbr.rel @p0 .LBB2_14-.Ltmp6, $2  }
0x104: {  	_ =	sdelay $0x2  }
0x105: {  	s22 =	sadd.s32 $0x80, s22;
	[tilespmem:v2+s15+$0x0] =	vst.idx.add.f32.msk vm15, v1  }
0x106: {  	[tilespmem:s13], [sflag:$0x2] =	stream.linear.gather [hbm4b:s10+s2], $0x4000, $0x38;
	[tilespmem:$0x18000] =	vst v63  }
0x107: {  	_ =	swait.ge [sflag:s14], $0x4000  }
0x108: {  	[sflag:s14] =	ssyncset.done $0x0  }
0x109: {  	s21 =	simm.s32 $0xFFFFFFF8;
	s22 =	simm.s32 $0x40;
	[sflag:s14] =	ssyncadd.s32 $0xFFFFC000  }
.LBB2_16:
0x10a: {  	v2 =	vld [tilespmem:s22+$0xFFFFFFC0];
	_ =	sdelay $0x4  }
0x10b: {  	vm0 =	vgt.s32 v2, $0xFFFFFFFF  }
0x10c: {  	v2 =	vshrl.u32 v2, $0xF;
	_ =	sdelay $0x4  }
0x10d: {  	[tilespmem:v2+s15+$0x0] =	vst.idx.add.f32.msk vm0, v1  }
0x10e: {  	v2 =	vld [tilespmem:s22+$0xFFFFFFD0];
	_ =	sdelay $0x4  }
0x10f: {  	vm9 =	vgt.s32 v2, $0xFFFFFFFF  }
0x110: {  	v2 =	vshrl.u32 v2, $0xF;
	_ =	sdelay $0x4  }
0x111: {  	[tilespmem:v2+s15+$0x0] =	vst.idx.add.f32.msk vm9, v1  }
0x112: {  	v2 =	vld [tilespmem:s22+$0xFFFFFFE0];
	_ =	sdelay $0x4  }
0x113: {  	vm10 =	vgt.s32 v2, $0xFFFFFFFF  }
0x114: {  	v2 =	vshrl.u32 v2, $0xF;
	_ =	sdelay $0x4  }
0x115: {  	[tilespmem:v2+s15+$0x0] =	vst.idx.add.f32.msk vm10, v1  }
0x116: {  	v2 =	vld [tilespmem:s22+$0xFFFFFFF0];
	_ =	sdelay $0x4  }
0x117: {  	vm11 =	vgt.s32 v2, $0xFFFFFFFF  }
0x118: {  	v2 =	vshrl.u32 v2, $0xF;
	_ =	sdelay $0x4  }
0x119: {  	[tilespmem:v2+s15+$0x0] =	vst.idx.add.f32.msk vm11, v1  }
0x11a: {  	v2 =	vld [tilespmem:s22+$0x0];
	_ =	sdelay $0x4  }
0x11b: {  	vm12 =	vgt.s32 v2, $0xFFFFFFFF  }
0x11c: {  	v2 =	vshrl.u32 v2, $0xF;
	_ =	sdelay $0x4  }
0x11d: {  	[tilespmem:v2+s15+$0x0] =	vst.idx.add.f32.msk vm12, v1  }
0x11e: {  	v2 =	vld [tilespmem:s22+$0x10];
	_ =	sdelay $0x4  }
0x11f: {  	vm13 =	vgt.s32 v2, $0xFFFFFFFF  }
0x120: {  	v2 =	vshrl.u32 v2, $0xF;
	_ =	sdelay $0x4  }
0x121: {  	[tilespmem:v2+s15+$0x0] =	vst.idx.add.f32.msk vm13, v1  }
0x122: {  	v2 =	vld [tilespmem:s22+$0x20];
	_ =	sdelay $0x4  }
0x123: {  	vm14 =	vgt.s32 v2, $0xFFFFFFFF  }
0x124: {  	v2 =	vshrl.u32 v2, $0xF;
	_ =	sdelay $0x4  }
0x125: {  	[tilespmem:v2+s15+$0x0] =	vst.idx.add.f32.msk vm14, v1  }
0x126: {  	v2 =	vld [tilespmem:s22+$0x30];
	_ =	sdelay $0x4  }
0x127: {  	s21 =	sadd.s32 $0x8, s21;
	vm15 =	vgt.s32 v2, $0xFFFFFFFF  }
0x128: {  	p0 =	slt.u32 s21, $0x3F8;
	v2 =	vshrl.u32 v2, $0xF  }
.Ltmp7:
0x129: {  	_ = 	snop;
	(pc) =	sbr.rel @p0 .LBB2_16-.Ltmp7, $2  }
0x12a: {  	_ =	sdelay $0x2  }
0x12b: {  	s22 =	sadd.s32 $0x80, s22;
	[tilespmem:v2+s15+$0x0] =	vst.idx.add.f32.msk vm15, v1  }
0x12c: {  	_ =	swait.ge [sflag:s16], $0x4000  }
0x12d: {  	[sflag:s16] =	ssyncset.done $0x0  }
0x12e: {  	s21 =	simm.s32 $0xFFFFFFF8;
	s22 =	simm.s32 $0x4040;
	[sflag:s16] =	ssyncadd.s32 $0xFFFFC000  }
.LBB2_18:
0x12f: {  	v2 =	vld [tilespmem:s22+$0xFFFFFFC0];
	_ =	sdelay $0x4  }
0x130: {  	vm0 =	vgt.s32 v2, $0xFFFFFFFF  }
0x131: {  	v2 =	vshrl.u32 v2, $0xF;
	_ =	sdelay $0x4  }
0x132: {  	[tilespmem:v2+s15+$0x0] =	vst.idx.add.f32.msk vm0, v1  }
0x133: {  	v2 =	vld [tilespmem:s22+$0xFFFFFFD0];
	_ =	sdelay $0x4  }
0x134: {  	vm9 =	vgt.s32 v2, $0xFFFFFFFF  }
0x135: {  	v2 =	vshrl.u32 v2, $0xF;
	_ =	sdelay $0x4  }
0x136: {  	[tilespmem:v2+s15+$0x0] =	vst.idx.add.f32.msk vm9, v1  }
0x137: {  	v2 =	vld [tilespmem:s22+$0xFFFFFFE0];
	_ =	sdelay $0x4  }
0x138: {  	vm10 =	vgt.s32 v2, $0xFFFFFFFF  }
0x139: {  	v2 =	vshrl.u32 v2, $0xF;
	_ =	sdelay $0x4  }
0x13a: {  	[tilespmem:v2+s15+$0x0] =	vst.idx.add.f32.msk vm10, v1  }
0x13b: {  	v2 =	vld [tilespmem:s22+$0xFFFFFFF0];
	_ =	sdelay $0x4  }
0x13c: {  	vm11 =	vgt.s32 v2, $0xFFFFFFFF  }
0x13d: {  	v2 =	vshrl.u32 v2, $0xF;
	_ =	sdelay $0x4  }
0x13e: {  	[tilespmem:v2+s15+$0x0] =	vst.idx.add.f32.msk vm11, v1  }
0x13f: {  	v2 =	vld [tilespmem:s22+$0x0];
	_ =	sdelay $0x4  }
0x140: {  	vm12 =	vgt.s32 v2, $0xFFFFFFFF  }
0x141: {  	v2 =	vshrl.u32 v2, $0xF;
	_ =	sdelay $0x4  }
0x142: {  	[tilespmem:v2+s15+$0x0] =	vst.idx.add.f32.msk vm12, v1  }
0x143: {  	v2 =	vld [tilespmem:s22+$0x10];
	_ =	sdelay $0x4  }
0x144: {  	vm13 =	vgt.s32 v2, $0xFFFFFFFF  }
0x145: {  	v2 =	vshrl.u32 v2, $0xF;
	_ =	sdelay $0x4  }
0x146: {  	[tilespmem:v2+s15+$0x0] =	vst.idx.add.f32.msk vm13, v1  }
0x147: {  	v2 =	vld [tilespmem:s22+$0x20];
	_ =	sdelay $0x4  }
0x148: {  	vm14 =	vgt.s32 v2, $0xFFFFFFFF  }
0x149: {  	v2 =	vshrl.u32 v2, $0xF;
	_ =	sdelay $0x4  }
0x14a: {  	[tilespmem:v2+s15+$0x0] =	vst.idx.add.f32.msk vm14, v1  }
0x14b: {  	v2 =	vld [tilespmem:s22+$0x30];
	_ =	sdelay $0x4  }
0x14c: {  	s21 =	sadd.s32 $0x8, s21;
	vm15 =	vgt.s32 v2, $0xFFFFFFFF  }
0x14d: {  	p0 =	slt.u32 s21, $0x3F8;
	v2 =	vshrl.u32 v2, $0xF  }
.Ltmp8:
0x14e: {  	_ = 	snop;
	(pc) =	sbr.rel @p0 .LBB2_18-.Ltmp8, $2  }
0x14f: {  	_ =	sdelay $0x2  }
0x150: {  	s22 =	sadd.s32 $0x80, s22;
	[tilespmem:v2+s15+$0x0] =	vst.idx.add.f32.msk vm15, v1  }
0x151: {  	s20 =	sadd.s32 $0x1, s20  }
0x152: {  	p0 =	sne.s32 s20, s12  }
.Ltmp9:
0x153: {  	_ = 	snop;
	(pc) =	sbr.rel @p0 .LBB2_1-.Ltmp9, $4  }
0x154: {  	[hbm4b:s11+s17] =	stream.strided.scatter [tilespmem:s15], [sflag:$0x3], $0x10000, s18, s17, $0x38;
	[tilespmem:$0x18000] =	vst v63  }
0x155: {  	_ =	swait.ge [sflag:s19], $0x10000  }
0x156: {  	[sflag:s19] =	ssyncset.done $0x0  }
0x157: {  	[sflag:s19] =	ssyncadd.s32 $0xFFFF0000  }
0x158: {  	_ =	sfence.sel $0x180000  }
0x159: {  	[bflag:$0x0] =	sbarrier.arrive $0xFFFF  }
0x15a: {  	p0 =	sne.s32 s1, $0x0;
	_ =	strace $0x90000047  }
0x15b: {  	s0 =	sadd.s32 @!p0 $0x100000, s0;
	[bflag:$0x2] =	sbarrier.arrive $0xFFFF  }
0x15c: {  	[sflag:s0] =	ssyncadd.tile.s32 @!p0 $0x1;
	_ =	shalt  }
.Lfunc_end2:
_tile_overlayer_lowered:
.L_overlay_start_2:
0x15d: {  	(tag) =	ssettag $0x2  }
0x15e: {  	s0 =	rddreg [dreg:$0x0];
	s2 =	stileid.u32  }
0x15f: {  	s1 =	rddreg [dreg:$0x1];
	p0 =	sne.s32 s2, $0x0  }
0x160: {  	s3 =	rddreg [dreg:$0x2];
	[bflag:$0x3] =	sbarrier.arrive $0xFFFF;
	s2 =	simm.s32 @!p0 $0x1C03  }
0x161: {  	[timem:s3], [sflag:s2] =	dma.local @!p0 [hbm:s0], s1  }
0x162: {  	s0 =	simm.s32 @!p0 $0x3  }
0x163: {  	_ =	swait.ge @!p0 [sflag:s0], s1  }
0x164: {  	s1 =	ssub.s32 @!p0 $0x0, s1;
	[sflag:s0] =	ssyncset.done @!p0 $0x0  }
0x165: {  	[sflag:s0] =	ssyncadd.s32 @!p0 s1  }
0x166: {  	[bflag:$0x3] =	sbarrier.arrive $0xFFFF  }
0x167: {  	_ =	shalt  }

</sc_bundles>
